<compile_context>
chip_gen: v7x
topology: tpu7x:2x2x1
jax: 0.10.2.dev20260603
libtpu: 0.0.44.dev20260713+nightly
codegen_flags: <defaults>
</compile_context>

<pallas_src>
import functools

import jax
import jax.numpy as jnp
from jax import lax
from jax.experimental import pallas as pl
from jax.experimental.pallas import tpu as pltpu
from jax.experimental.pallas import tpu_sc as plsc

VOCAB = 1000
EMBED = 32
MAXLEN = 200
NCLASS = 100
BATCH = 4096

N_TOK = BATCH * MAXLEN
NC, NS = 2, 16
NW = NC * NS
ROWS_PER_W = BATCH // NW
ROWS_PER_CHUNK = 8
NCHUNK = ROWS_PER_W // ROWS_PER_CHUNK
TOK_PER_CHUNK = ROWS_PER_CHUNK * MAXLEN
NGROUP = TOK_PER_CHUNK // 16


def _sc_gather(x_flat, table_flat):
    mesh = plsc.VectorSubcoreMesh(core_axis_name="c", subcore_axis_name="s")

    @functools.partial(
        pl.kernel,
        out_type=jax.ShapeDtypeStruct((BATCH, MAXLEN * EMBED), jnp.float32),
        mesh=mesh,
        scratch_types=[
            pltpu.VMEM((TOK_PER_CHUNK,), jnp.int32),
            pltpu.VMEM((VOCAB * EMBED,), jnp.float32),
            pltpu.VMEM((ROWS_PER_CHUNK, MAXLEN * EMBED), jnp.float32),
        ],
        compiler_params=pltpu.CompilerParams(needs_layout_passes=False),
    )
    def k(idx_hbm, table_hbm, out_hbm, idx_v, table_v, out_v):
        wid = lax.axis_index("s") * NC + lax.axis_index("c")
        pltpu.sync_copy(table_hbm, table_v)
        row0 = wid * ROWS_PER_W
        lane = lax.iota(jnp.int32, 16)

        def chunk_body(ci, carry):
            r0 = row0 + ci * ROWS_PER_CHUNK
            pltpu.sync_copy(
                idx_hbm.at[pl.ds(r0 * MAXLEN, TOK_PER_CHUNK)], idx_v
            )

            def group_body(g, c2):
                t16 = g * 16 + lane
                x16 = idx_v[pl.ds(g * 16, 16)]
                r16 = t16 // MAXLEN
                c0 = (t16 - r16 * MAXLEN) * EMBED
                f0 = x16 * EMBED
                for e in range(EMBED):
                    vals = plsc.load_gather(table_v, [f0 + e])
                    plsc.store_scatter(out_v, [r16, c0 + e], vals)
                return c2

            lax.fori_loop(0, NGROUP, group_body, 0)
            pltpu.sync_copy(out_v, out_hbm.at[pl.ds(r0, ROWS_PER_CHUNK), :])
            return carry

        lax.fori_loop(0, NCHUNK, chunk_body, 0)

    return k(x_flat, table_flat)


def _tc_matmul(emb, W, b):
    TB = 256

    def mm(e_ref, w_ref, b_ref, o_ref):
        o_ref[...] = (
            jnp.dot(
                e_ref[...].astype(jnp.bfloat16),
                w_ref[...],
                preferred_element_type=jnp.float32,
            )
            + b_ref[...]
        )

    return pl.pallas_call(
        mm,
        grid=(BATCH // TB,),
        in_specs=[
            pl.BlockSpec((TB, MAXLEN * EMBED), lambda i: (i, 0)),
            pl.BlockSpec((MAXLEN * EMBED, NCLASS), lambda i: (0, 0)),
            pl.BlockSpec((1, NCLASS), lambda i: (0, 0)),
        ],
        out_specs=pl.BlockSpec((TB, NCLASS), lambda i: (i, 0)),
        out_shape=jax.ShapeDtypeStruct((BATCH, NCLASS), jnp.float32),
    )(emb, W.astype(jnp.bfloat16), b.reshape(1, NCLASS))


def kernel(x, table, W, b):
    x_flat = x.reshape(N_TOK).astype(jnp.int32)
    table_flat = table.reshape(VOCAB * EMBED)
    emb = _sc_gather(x_flat, table_flat)
    return _tc_matmul(emb, W, b)

# --- scband reference (transcript-rebuilt; emitter-appended) ---
"""Pipeline reference for scband-simple-protein-class-54631984005631 (READ-ONLY COPY).

The authoritative reference and input builder live on the scoring server;
editing this copy changes nothing except your own understanding.
"""

import jax, jax.numpy as jnp
import numpy as np

VOCAB = 1000
EMBED = 32
MAXLEN = 200
NCLASS = 100
BATCH = 4096

def setup_inputs(seed: int = 0) -> dict:
    key = jax.random.key(seed)
    k1, k2, k3, k4 = jax.random.split(key, 4)
    x = jax.random.randint(k1, (BATCH, MAXLEN), 0, VOCAB, dtype=jnp.int64) if jax.config.jax_enable_x64 else jax.random.randint(k1, (BATCH, MAXLEN), 0, VOCAB, dtype=jnp.int32)
    table = jax.random.normal(k2, (VOCAB, EMBED), dtype=jnp.float32)
    bound = 1.0 / np.sqrt(EMBED * MAXLEN)
    W = jax.random.uniform(k3, (EMBED * MAXLEN, NCLASS), dtype=jnp.float32, minval=-bound, maxval=bound)
    b = jax.random.uniform(k4, (NCLASS,), dtype=jnp.float32, minval=-bound, maxval=bound)
    return {"x": x, "table": table, "W": W, "b": b}

def reference(x, table, W, b):
    # embedding gather (SparseCore: jnp.take along rows)
    embedded = jnp.take(table, x, axis=0)          # [B, L, E]
    embedded_reshaped = jnp.reshape(embedded, (-1, EMBED * MAXLEN))  # [B, L*E]
    out = embedded_reshaped @ W + b                # [B, NCLASS]
    return out

if __name__ == "__main__":
    import jax
    _d = setup_inputs()
    print(jax.jit(kernel)(*tuple(_d.values())))

</pallas_src>

<mosaic_0001>
#map = affine_map<(d0, d1) -> (0)>
#map1 = affine_map<(d0, d1) -> (0, 0)>
module attributes {stable_mosaic.version = 14 : i64} {
  func.func @k(%arg0: i32, %arg1: i32, %arg2: memref<819200xi32, #tpu.memory_space<hbm>>, %arg3: memref<32000xf32, #tpu.memory_space<hbm>>, %arg4: memref<4096x6400xf32, #tpu.memory_space<hbm>>, %arg5: memref<1600xi32, #tpu.memory_space<vmem>>, %arg6: memref<32000xf32, #tpu.memory_space<vmem>>, %arg7: memref<8x6400xf32, #tpu.memory_space<vmem>>) attributes {dimension_semantics = [#tpu.dimension_semantics<core_parallel>, #tpu.dimension_semantics<subcore_parallel>], iteration_bounds = array<i64: 2, 16>, scalar_prefetch = 0 : i64, scratch_operands = 3 : i64, tpu.core_type = #tpu.core_type<sc_vector_subcore>, window_params = [{transform_indices = #map}, {transform_indices = #map}, {transform_indices = #map1}]} {
    %mul3A = arith.constant 2 : i32
    %mul3A_0 = arith.muli %arg1, %mul3A : i32
    %add3A = arith.addi %mul3A_0, %arg0 : i32
    "tpu.region"() ({
      %run_scoped3A = tpu.sem_alloc : memref<!tpu.dma_semaphore, #tpu.memory_space<semaphore_mem>>
      tpu.enqueue_dma source(%arg3 : memref<32000xf32, #tpu.memory_space<hbm>>) target(%arg6 : memref<32000xf32, #tpu.memory_space<vmem>>) target_semaphore(%run_scoped3A : memref<!tpu.dma_semaphore, #tpu.memory_space<semaphore_mem>>)
      tpu.wait_dma2 semaphore(%run_scoped3A : memref<!tpu.dma_semaphore, #tpu.memory_space<semaphore_mem>>) src(%arg3 : memref<32000xf32, #tpu.memory_space<hbm>>) dst(%arg6 : memref<32000xf32, #tpu.memory_space<vmem>>)
      tpu.yield
    }) : () -> ()
    %mul3A_1 = arith.constant 128 : i32
    %mul3A_2 = arith.muli %add3A, %mul3A_1 : i32
    %iota3A = tpu.iota {dimensions = array<i32: 0>} : vector<16xi32>
    %scan3A = arith.constant 0 : i32
    %scan3A_3 = arith.constant 0 : i32
    %scan3A_4 = arith.constant 16 : i32
    %scan3A_5 = arith.addi %scan3A_3, %scan3A_4 : i32
    %scan3A_6 = arith.constant 1 : i32
    scf.for %scan3A_8 = %scan3A_3 to %scan3A_5 step %scan3A_6  : i32 {
      %mul3A_9 = arith.constant 8 : i32
      %mul3A_10 = arith.muli %scan3A_8, %mul3A_9 : i32
      %add3A_11 = arith.addi %mul3A_2, %mul3A_10 : i32
      %mul3A_12 = arith.constant 200 : i32
      %mul3A_13 = arith.muli %add3A_11, %mul3A_12 : i32
      "tpu.region"() ({
        %run_scoped3A = tpu.sem_alloc : memref<!tpu.dma_semaphore, #tpu.memory_space<semaphore_mem>>
        %dma_start3A = tpu.memref_slice %arg2[%mul3A_13] : memref<819200xi32, #tpu.memory_space<hbm>> -> memref<1600xi32, #tpu.memory_space<hbm>>
        %dma_start3A_20 = tpu.memref_slice %arg2[%mul3A_13] : memref<819200xi32, #tpu.memory_space<hbm>> -> memref<1600xi32, #tpu.memory_space<hbm>>
        tpu.enqueue_dma source(%dma_start3A_20 : memref<1600xi32, #tpu.memory_space<hbm>>) target(%arg5 : memref<1600xi32, #tpu.memory_space<vmem>>) target_semaphore(%run_scoped3A : memref<!tpu.dma_semaphore, #tpu.memory_space<semaphore_mem>>)
        %dma_wait3A = tpu.memref_slice %arg2[%mul3A_13] : memref<819200xi32, #tpu.memory_space<hbm>> -> memref<1600xi32, #tpu.memory_space<hbm>>
        %dma_wait3A_21 = tpu.memref_slice %arg2[%mul3A_13] : memref<819200xi32, #tpu.memory_space<hbm>> -> memref<1600xi32, #tpu.memory_space<hbm>>
        tpu.wait_dma2 semaphore(%run_scoped3A : memref<!tpu.dma_semaphore, #tpu.memory_space<semaphore_mem>>) src(%dma_wait3A_21 : memref<1600xi32, #tpu.memory_space<hbm>>) dst(%arg5 : memref<1600xi32, #tpu.memory_space<vmem>>)
        tpu.yield
      }) : () -> ()
      %scan3A_14 = arith.constant 0 : i32
      %scan3A_15 = arith.constant 0 : i32
      %scan3A_16 = arith.constant 100 : i32
      %scan3A_17 = arith.addi %scan3A_15, %scan3A_16 : i32
      %scan3A_18 = arith.constant 1 : i32
      scf.for %scan3A_20 = %scan3A_15 to %scan3A_17 step %scan3A_18  : i32 {
        %mul3A_21 = arith.constant 16 : i32
        %mul3A_22 = arith.muli %scan3A_20, %mul3A_21 : i32
        %add3A_23 = vector.broadcast %mul3A_22 : i32 to vector<16xi32>
        %add3A_24 = arith.addi %add3A_23, %iota3A : vector<16xi32>
        %mul3A_25 = arith.constant 16 : i32
        %mul3A_26 = arith.muli %scan3A_20, %mul3A_25 : i32
        %get3A = arith.index_cast %mul3A_26 : i32 to index
        %get3A_27 = tpu.vector_load %arg5[%get3A] {strides = array<i32>} : memref<1600xi32, #tpu.memory_space<vmem>>, vector<16xi32>,
        %jit3A = arith.constant 200 : i32
        %div3A = vector.broadcast %jit3A : i32 to vector<16xi32>
        %div3A_28 = arith.divsi %add3A_24, %div3A : vector<16xi32>
        %sign3A = arith.constant 0 : i32
        %sign3A_29 = vector.broadcast %sign3A : i32 to vector<16xi32>
        %sign3A_30 = arith.cmpi sgt, %add3A_24, %sign3A_29 : vector<16xi32>
        %sign3A_31 = arith.extui %sign3A_30 : vector<16xi1> to vector<16xi32>
        %sign3A_32 = arith.constant 0 : i32
        %sign3A_33 = vector.broadcast %sign3A_32 : i32 to vector<16xi32>
        %sign3A_34 = arith.cmpi slt, %add3A_24, %sign3A_33 : vector<16xi32>
        %sign3A_35 = arith.extui %sign3A_34 : vector<16xi1> to vector<16xi32>
        %sign3A_36 = arith.subi %sign3A_31, %sign3A_35 : vector<16xi32>
        %sign3A_37 = arith.constant 0 : i32
        %sign3A_38 = arith.cmpi sgt, %jit3A, %sign3A_37 : i32
        %sign3A_39 = arith.extui %sign3A_38 : i1 to i32
        %sign3A_40 = arith.constant 0 : i32
        %sign3A_41 = arith.cmpi slt, %jit3A, %sign3A_40 : i32
        %sign3A_42 = arith.extui %sign3A_41 : i1 to i32
        %sign3A_43 = arith.subi %sign3A_39, %sign3A_42 : i32
        %ne3A = vector.broadcast %sign3A_43 : i32 to vector<16xi32>
        %ne3A_44 = arith.cmpi ne, %sign3A_36, %ne3A : vector<16xi32>
        %rem3A = vector.broadcast %jit3A : i32 to vector<16xi32>
        %rem3A_45 = arith.remsi %add3A_24, %rem3A : vector<16xi32>
        %ne3A_46 = arith.constant 0 : i32
        %ne3A_47 = vector.broadcast %ne3A_46 : i32 to vector<16xi32>
        %ne3A_48 = arith.cmpi ne, %rem3A_45, %ne3A_47 : vector<16xi32>
        %and3A = arith.andi %ne3A_44, %ne3A_48 : vector<16xi1>
        %sub3A = arith.constant 1 : i32
        %sub3A_49 = vector.broadcast %sub3A : i32 to vector<16xi32>
        %sub3A_50 = arith.subi %div3A_28, %sub3A_49 : vector<16xi32>
        %select_n3A = arith.select %and3A, %sub3A_50, %div3A_28 : vector<16xi1>, vector<16xi32>
        %mul3A_51 = arith.constant 200 : i32
        %mul3A_52 = vector.broadcast %mul3A_51 : i32 to vector<16xi32>
        %mul3A_53 = arith.muli %select_n3A, %mul3A_52 : vector<16xi32>
        %sub3A_54 = arith.subi %add3A_24, %mul3A_53 : vector<16xi32>
        %mul3A_55 = arith.constant 32 : i32
        %mul3A_56 = vector.broadcast %mul3A_55 : i32 to vector<16xi32>
        %mul3A_57 = arith.muli %sub3A_54, %mul3A_56 : vector<16xi32>
        %mul3A_58 = arith.constant 32 : i32
        %mul3A_59 = vector.broadcast %mul3A_58 : i32 to vector<16xi32>
        %mul3A_60 = arith.muli %get3A_27, %mul3A_59 : vector<16xi32>
        %add3A_61 = arith.constant 0 : i32
        %add3A_62 = vector.broadcast %add3A_61 : i32 to vector<16xi32>
        %add3A_63 = arith.addi %mul3A_60, %add3A_62 : vector<16xi32>
        %gather3A = tpu.vector_load_idx %arg6[%add3A_63] : memref<32000xf32, #tpu.memory_space<vmem>>[vector<16xi32>], vector<16xf32>,
        %add3A_64 = arith.constant 0 : i32
        %add3A_65 = vector.broadcast %add3A_64 : i32 to vector<16xi32>
        %add3A_66 = arith.addi %mul3A_57, %add3A_65 : vector<16xi32>
        tpu.vector_store_idx %arg7[%select_n3A, %add3A_66], %gather3A : memref<8x6400xf32, #tpu.memory_space<vmem>>[vector<16xi32>, vector<16xi32>], vector<16xf32>,
        %add3A_67 = arith.constant 1 : i32
        %add3A_68 = vector.broadcast %add3A_67 : i32 to vector<16xi32>
        %add3A_69 = arith.addi %mul3A_60, %add3A_68 : vector<16xi32>
        %gather3A_70 = tpu.vector_load_idx %arg6[%add3A_69] : memref<32000xf32, #tpu.memory_space<vmem>>[vector<16xi32>], vector<16xf32>,
        %add3A_71 = arith.constant 1 : i32
        %add3A_72 = vector.broadcast %add3A_71 : i32 to vector<16xi32>
        %add3A_73 = arith.addi %mul3A_57, %add3A_72 : vector<16xi32>
        tpu.vector_store_idx %arg7[%select_n3A, %add3A_73], %gather3A_70 : memref<8x6400xf32, #tpu.memory_space<vmem>>[vector<16xi32>, vector<16xi32>], vector<16xf32>,
        %add3A_74 = arith.constant 2 : i32
        %add3A_75 = vector.broadcast %add3A_74 : i32 to vector<16xi32>
        %add3A_76 = arith.addi %mul3A_60, %add3A_75 : vector<16xi32>
        %gather3A_77 = tpu.vector_load_idx %arg6[%add3A_76] : memref<32000xf32, #tpu.memory_space<vmem>>[vector<16xi32>], vector<16xf32>,
        %add3A_78 = arith.constant 2 : i32
        %add3A_79 = vector.broadcast %add3A_78 : i32 to vector<16xi32>
        %add3A_80 = arith.addi %mul3A_57, %add3A_79 : vector<16xi32>
        tpu.vector_store_idx %arg7[%select_n3A, %add3A_80], %gather3A_77 : memref<8x6400xf32, #tpu.memory_space<vmem>>[vector<16xi32>, vector<16xi32>], vector<16xf32>,
        %add3A_81 = arith.constant 3 : i32
        %add3A_82 = vector.broadcast %add3A_81 : i32 to vector<16xi32>
        %add3A_83 = arith.addi %mul3A_60, %add3A_82 : vector<16xi32>
        %gather3A_84 = tpu.vector_load_idx %arg6[%add3A_83] : memref<32000xf32, #tpu.memory_space<vmem>>[vector<16xi32>], vector<16xf32>,
        %add3A_85 = arith.constant 3 : i32
        %add3A_86 = vector.broadcast %add3A_85 : i32 to vector<16xi32>
        %add3A_87 = arith.addi %mul3A_57, %add3A_86 : vector<16xi32>
        tpu.vector_store_idx %arg7[%select_n3A, %add3A_87], %gather3A_84 : memref<8x6400xf32, #tpu.memory_space<vmem>>[vector<16xi32>, vector<16xi32>], vector<16xf32>,
        %add3A_88 = arith.constant 4 : i32
        %add3A_89 = vector.broadcast %add3A_88 : i32 to vector<16xi32>
        %add3A_90 = arith.addi %mul3A_60, %add3A_89 : vector<16xi32>
        %gather3A_91 = tpu.vector_load_idx %arg6[%add3A_90] : memref<32000xf32, #tpu.memory_space<vmem>>[vector<16xi32>], vector<16xf32>,
        %add3A_92 = arith.constant 4 : i32
        %add3A_93 = vector.broadcast %add3A_92 : i32 to vector<16xi32>
        %add3A_94 = arith.addi %mul3A_57, %add3A_93 : vector<16xi32>
        tpu.vector_store_idx %arg7[%select_n3A, %add3A_94], %gather3A_91 : memref<8x6400xf32, #tpu.memory_space<vmem>>[vector<16xi32>, vector<16xi32>], vector<16xf32>,
        %add3A_95 = arith.constant 5 : i32
        %add3A_96 = vector.broadcast %add3A_95 : i32 to vector<16xi32>
        %add3A_97 = arith.addi %mul3A_60, %add3A_96 : vector<16xi32>
        %gather3A_98 = tpu.vector_load_idx %arg6[%add3A_97] : memref<32000xf32, #tpu.memory_space<vmem>>[vector<16xi32>], vector<16xf32>,
        %add3A_99 = arith.constant 5 : i32
        %add3A_100 = vector.broadcast %add3A_99 : i32 to vector<16xi32>
        %add3A_101 = arith.addi %mul3A_57, %add3A_100 : vector<16xi32>
        tpu.vector_store_idx %arg7[%select_n3A, %add3A_101], %gather3A_98 : memref<8x6400xf32, #tpu.memory_space<vmem>>[vector<16xi32>, vector<16xi32>], vector<16xf32>,
        %add3A_102 = arith.constant 6 : i32
        %add3A_103 = vector.broadcast %add3A_102 : i32 to vector<16xi32>
        %add3A_104 = arith.addi %mul3A_60, %add3A_103 : vector<16xi32>
        %gather3A_105 = tpu.vector_load_idx %arg6[%add3A_104] : memref<32000xf32, #tpu.memory_space<vmem>>[vector<16xi32>], vector<16xf32>,
        %add3A_106 = arith.constant 6 : i32
        %add3A_107 = vector.broadcast %add3A_106 : i32 to vector<16xi32>
        %add3A_108 = arith.addi %mul3A_57, %add3A_107 : vector<16xi32>
        tpu.vector_store_idx %arg7[%select_n3A, %add3A_108], %gather3A_105 : memref<8x6400xf32, #tpu.memory_space<vmem>>[vector<16xi32>, vector<16xi32>], vector<16xf32>,
        %add3A_109 = arith.constant 7 : i32
        %add3A_110 = vector.broadcast %add3A_109 : i32 to vector<16xi32>
        %add3A_111 = arith.addi %mul3A_60, %add3A_110 : vector<16xi32>
        %gather3A_112 = tpu.vector_load_idx %arg6[%add3A_111] : memref<32000xf32, #tpu.memory_space<vmem>>[vector<16xi32>], vector<16xf32>,
        %add3A_113 = arith.constant 7 : i32
        %add3A_114 = vector.broadcast %add3A_113 : i32 to vector<16xi32>
        %add3A_115 = arith.addi %mul3A_57, %add3A_114 : vector<16xi32>
        tpu.vector_store_idx %arg7[%select_n3A, %add3A_115], %gather3A_112 : memref<8x6400xf32, #tpu.memory_space<vmem>>[vector<16xi32>, vector<16xi32>], vector<16xf32>,
        %add3A_116 = arith.constant 8 : i32
        %add3A_117 = vector.broadcast %add3A_116 : i32 to vector<16xi32>
        %add3A_118 = arith.addi %mul3A_60, %add3A_117 : vector<16xi32>
        %gather3A_119 = tpu.vector_load_idx %arg6[%add3A_118] : memref<32000xf32, #tpu.memory_space<vmem>>[vector<16xi32>], vector<16xf32>,
        %add3A_120 = arith.constant 8 : i32
        %add3A_121 = vector.broadcast %add3A_120 : i32 to vector<16xi32>
        %add3A_122 = arith.addi %mul3A_57, %add3A_121 : vector<16xi32>
        tpu.vector_store_idx %arg7[%select_n3A, %add3A_122], %gather3A_119 : memref<8x6400xf32, #tpu.memory_space<vmem>>[vector<16xi32>, vector<16xi32>], vector<16xf32>,
        %add3A_123 = arith.constant 9 : i32
        %add3A_124 = vector.broadcast %add3A_123 : i32 to vector<16xi32>
        %add3A_125 = arith.addi %mul3A_60, %add3A_124 : vector<16xi32>
        %gather3A_126 = tpu.vector_load_idx %arg6[%add3A_125] : memref<32000xf32, #tpu.memory_space<vmem>>[vector<16xi32>], vector<16xf32>,
        %add3A_127 = arith.constant 9 : i32
        %add3A_128 = vector.broadcast %add3A_127 : i32 to vector<16xi32>
        %add3A_129 = arith.addi %mul3A_57, %add3A_128 : vector<16xi32>
        tpu.vector_store_idx %arg7[%select_n3A, %add3A_129], %gather3A_126 : memref<8x6400xf32, #tpu.memory_space<vmem>>[vector<16xi32>, vector<16xi32>], vector<16xf32>,
        %add3A_130 = arith.constant 10 : i32
        %add3A_131 = vector.broadcast %add3A_130 : i32 to vector<16xi32>
        %add3A_132 = arith.addi %mul3A_60, %add3A_131 : vector<16xi32>
        %gather3A_133 = tpu.vector_load_idx %arg6[%add3A_132] : memref<32000xf32, #tpu.memory_space<vmem>>[vector<16xi32>], vector<16xf32>,
        %add3A_134 = arith.constant 10 : i32
        %add3A_135 = vector.broadcast %add3A_134 : i32 to vector<16xi32>
        %add3A_136 = arith.addi %mul3A_57, %add3A_135 : vector<16xi32>
        tpu.vector_store_idx %arg7[%select_n3A, %add3A_136], %gather3A_133 : memref<8x6400xf32, #tpu.memory_space<vmem>>[vector<16xi32>, vector<16xi32>], vector<16xf32>,
        %add3A_137 = arith.constant 11 : i32
        %add3A_138 = vector.broadcast %add3A_137 : i32 to vector<16xi32>
        %add3A_139 = arith.addi %mul3A_60, %add3A_138 : vector<16xi32>
        %gather3A_140 = tpu.vector_load_idx %arg6[%add3A_139] : memref<32000xf32, #tpu.memory_space<vmem>>[vector<16xi32>], vector<16xf32>,
        %add3A_141 = arith.constant 11 : i32
        %add3A_142 = vector.broadcast %add3A_141 : i32 to vector<16xi32>
        %add3A_143 = arith.addi %mul3A_57, %add3A_142 : vector<16xi32>
        tpu.vector_store_idx %arg7[%select_n3A, %add3A_143], %gather3A_140 : memref<8x6400xf32, #tpu.memory_space<vmem>>[vector<16xi32>, vector<16xi32>], vector<16xf32>,
        %add3A_144 = arith.constant 12 : i32
        %add3A_145 = vector.broadcast %add3A_144 : i32 to vector<16xi32>
        %add3A_146 = arith.addi %mul3A_60, %add3A_145 : vector<16xi32>
        %gather3A_147 = tpu.vector_load_idx %arg6[%add3A_146] : memref<32000xf32, #tpu.memory_space<vmem>>[vector<16xi32>], vector<16xf32>,
        %add3A_148 = arith.constant 12 : i32
        %add3A_149 = vector.broadcast %add3A_148 : i32 to vector<16xi32>
        %add3A_150 = arith.addi %mul3A_57, %add3A_149 : vector<16xi32>
        tpu.vector_store_idx %arg7[%select_n3A, %add3A_150], %gather3A_147 : memref<8x6400xf32, #tpu.memory_space<vmem>>[vector<16xi32>, vector<16xi32>], vector<16xf32>,
        %add3A_151 = arith.constant 13 : i32
        %add3A_152 = vector.broadcast %add3A_151 : i32 to vector<16xi32>
        %add3A_153 = arith.addi %mul3A_60, %add3A_152 : vector<16xi32>
        %gather3A_154 = tpu.vector_load_idx %arg6[%add3A_153] : memref<32000xf32, #tpu.memory_space<vmem>>[vector<16xi32>], vector<16xf32>,
        %add3A_155 = arith.constant 13 : i32
        %add3A_156 = vector.broadcast %add3A_155 : i32 to vector<16xi32>
        %add3A_157 = arith.addi %mul3A_57, %add3A_156 : vector<16xi32>
        tpu.vector_store_idx %arg7[%select_n3A, %add3A_157], %gather3A_154 : memref<8x6400xf32, #tpu.memory_space<vmem>>[vector<16xi32>, vector<16xi32>], vector<16xf32>,
        %add3A_158 = arith.constant 14 : i32
        %add3A_159 = vector.broadcast %add3A_158 : i32 to vector<16xi32>
        %add3A_160 = arith.addi %mul3A_60, %add3A_159 : vector<16xi32>
        %gather3A_161 = tpu.vector_load_idx %arg6[%add3A_160] : memref<32000xf32, #tpu.memory_space<vmem>>[vector<16xi32>], vector<16xf32>,
        %add3A_162 = arith.constant 14 : i32
        %add3A_163 = vector.broadcast %add3A_162 : i32 to vector<16xi32>
        %add3A_164 = arith.addi %mul3A_57, %add3A_163 : vector<16xi32>
        tpu.vector_store_idx %arg7[%select_n3A, %add3A_164], %gather3A_161 : memref<8x6400xf32, #tpu.memory_space<vmem>>[vector<16xi32>, vector<16xi32>], vector<16xf32>,
        %add3A_165 = arith.constant 15 : i32
        %add3A_166 = vector.broadcast %add3A_165 : i32 to vector<16xi32>
        %add3A_167 = arith.addi %mul3A_60, %add3A_166 : vector<16xi32>
        %gather3A_168 = tpu.vector_load_idx %arg6[%add3A_167] : memref<32000xf32, #tpu.memory_space<vmem>>[vector<16xi32>], vector<16xf32>,
        %add3A_169 = arith.constant 15 : i32
        %add3A_170 = vector.broadcast %add3A_169 : i32 to vector<16xi32>
        %add3A_171 = arith.addi %mul3A_57, %add3A_170 : vector<16xi32>
        tpu.vector_store_idx %arg7[%select_n3A, %add3A_171], %gather3A_168 : memref<8x6400xf32, #tpu.memory_space<vmem>>[vector<16xi32>, vector<16xi32>], vector<16xf32>,
        %add3A_172 = arith.constant 16 : i32
        %add3A_173 = vector.broadcast %add3A_172 : i32 to vector<16xi32>
        %add3A_174 = arith.addi %mul3A_60, %add3A_173 : vector<16xi32>
        %gather3A_175 = tpu.vector_load_idx %arg6[%add3A_174] : memref<32000xf32, #tpu.memory_space<vmem>>[vector<16xi32>], vector<16xf32>,
        %add3A_176 = arith.constant 16 : i32
        %add3A_177 = vector.broadcast %add3A_176 : i32 to vector<16xi32>
        %add3A_178 = arith.addi %mul3A_57, %add3A_177 : vector<16xi32>
        tpu.vector_store_idx %arg7[%select_n3A, %add3A_178], %gather3A_175 : memref<8x6400xf32, #tpu.memory_space<vmem>>[vector<16xi32>, vector<16xi32>], vector<16xf32>,
        %add3A_179 = arith.constant 17 : i32
        %add3A_180 = vector.broadcast %add3A_179 : i32 to vector<16xi32>
        %add3A_181 = arith.addi %mul3A_60, %add3A_180 : vector<16xi32>
        %gather3A_182 = tpu.vector_load_idx %arg6[%add3A_181] : memref<32000xf32, #tpu.memory_space<vmem>>[vector<16xi32>], vector<16xf32>,
        %add3A_183 = arith.constant 17 : i32
        %add3A_184 = vector.broadcast %add3A_183 : i32 to vector<16xi32>
        %add3A_185 = arith.addi %mul3A_57, %add3A_184 : vector<16xi32>
        tpu.vector_store_idx %arg7[%select_n3A, %add3A_185], %gather3A_182 : memref<8x6400xf32, #tpu.memory_space<vmem>>[vector<16xi32>, vector<16xi32>], vector<16xf32>,
        %add3A_186 = arith.constant 18 : i32
        %add3A_187 = vector.broadcast %add3A_186 : i32 to vector<16xi32>
        %add3A_188 = arith.addi %mul3A_60, %add3A_187 : vector<16xi32>
        %gather3A_189 = tpu.vector_load_idx %arg6[%add3A_188] : memref<32000xf32, #tpu.memory_space<vmem>>[vector<16xi32>], vector<16xf32>,
        %add3A_190 = arith.constant 18 : i32
        %add3A_191 = vector.broadcast %add3A_190 : i32 to vector<16xi32>
        %add3A_192 = arith.addi %mul3A_57, %add3A_191 : vector<16xi32>
        tpu.vector_store_idx %arg7[%select_n3A, %add3A_192], %gather3A_189 : memref<8x6400xf32, #tpu.memory_space<vmem>>[vector<16xi32>, vector<16xi32>], vector<16xf32>,
        %add3A_193 = arith.constant 19 : i32
        %add3A_194 = vector.broadcast %add3A_193 : i32 to vector<16xi32>
        %add3A_195 = arith.addi %mul3A_60, %add3A_194 : vector<16xi32>
        %gather3A_196 = tpu.vector_load_idx %arg6[%add3A_195] : memref<32000xf32, #tpu.memory_space<vmem>>[vector<16xi32>], vector<16xf32>,
        %add3A_197 = arith.constant 19 : i32
        %add3A_198 = vector.broadcast %add3A_197 : i32 to vector<16xi32>
        %add3A_199 = arith.addi %mul3A_57, %add3A_198 : vector<16xi32>
        tpu.vector_store_idx %arg7[%select_n3A, %add3A_199], %gather3A_196 : memref<8x6400xf32, #tpu.memory_space<vmem>>[vector<16xi32>, vector<16xi32>], vector<16xf32>,
        %add3A_200 = arith.constant 20 : i32
        %add3A_201 = vector.broadcast %add3A_200 : i32 to vector<16xi32>
        %add3A_202 = arith.addi %mul3A_60, %add3A_201 : vector<16xi32>
        %gather3A_203 = tpu.vector_load_idx %arg6[%add3A_202] : memref<32000xf32, #tpu.memory_space<vmem>>[vector<16xi32>], vector<16xf32>,
        %add3A_204 = arith.constant 20 : i32
        %add3A_205 = vector.broadcast %add3A_204 : i32 to vector<16xi32>
        %add3A_206 = arith.addi %mul3A_57, %add3A_205 : vector<16xi32>
        tpu.vector_store_idx %arg7[%select_n3A, %add3A_206], %gather3A_203 : memref<8x6400xf32, #tpu.memory_space<vmem>>[vector<16xi32>, vector<16xi32>], vector<16xf32>,
        %add3A_207 = arith.constant 21 : i32
        %add3A_208 = vector.broadcast %add3A_207 : i32 to vector<16xi32>
        %add3A_209 = arith.addi %mul3A_60, %add3A_208 : vector<16xi32>
        %gather3A_210 = tpu.vector_load_idx %arg6[%add3A_209] : memref<32000xf32, #tpu.memory_space<vmem>>[vector<16xi32>], vector<16xf32>,
        %add3A_211 = arith.constant 21 : i32
        %add3A_212 = vector.broadcast %add3A_211 : i32 to vector<16xi32>
        %add3A_213 = arith.addi %mul3A_57, %add3A_212 : vector<16xi32>
        tpu.vector_store_idx %arg7[%select_n3A, %add3A_213], %gather3A_210 : memref<8x6400xf32, #tpu.memory_space<vmem>>[vector<16xi32>, vector<16xi32>], vector<16xf32>,
        %add3A_214 = arith.constant 22 : i32
        %add3A_215 = vector.broadcast %add3A_214 : i32 to vector<16xi32>
        %add3A_216 = arith.addi %mul3A_60, %add3A_215 : vector<16xi32>
        %gather3A_217 = tpu.vector_load_idx %arg6[%add3A_216] : memref<32000xf32, #tpu.memory_space<vmem>>[vector<16xi32>], vector<16xf32>,
        %add3A_218 = arith.constant 22 : i32
        %add3A_219 = vector.broadcast %add3A_218 : i32 to vector<16xi32>
        %add3A_220 = arith.addi %mul3A_57, %add3A_219 : vector<16xi32>
        tpu.vector_store_idx %arg7[%select_n3A, %add3A_220], %gather3A_217 : memref<8x6400xf32, #tpu.memory_space<vmem>>[vector<16xi32>, vector<16xi32>], vector<16xf32>,
        %add3A_221 = arith.constant 23 : i32
        %add3A_222 = vector.broadcast %add3A_221 : i32 to vector<16xi32>
        %add3A_223 = arith.addi %mul3A_60, %add3A_222 : vector<16xi32>
        %gather3A_224 = tpu.vector_load_idx %arg6[%add3A_223] : memref<32000xf32, #tpu.memory_space<vmem>>[vector<16xi32>], vector<16xf32>,
        %add3A_225 = arith.constant 23 : i32
        %add3A_226 = vector.broadcast %add3A_225 : i32 to vector<16xi32>
        %add3A_227 = arith.addi %mul3A_57, %add3A_226 : vector<16xi32>
        tpu.vector_store_idx %arg7[%select_n3A, %add3A_227], %gather3A_224 : memref<8x6400xf32, #tpu.memory_space<vmem>>[vector<16xi32>, vector<16xi32>], vector<16xf32>,
        %add3A_228 = arith.constant 24 : i32
        %add3A_229 = vector.broadcast %add3A_228 : i32 to vector<16xi32>
        %add3A_230 = arith.addi %mul3A_60, %add3A_229 : vector<16xi32>
        %gather3A_231 = tpu.vector_load_idx %arg6[%add3A_230] : memref<32000xf32, #tpu.memory_space<vmem>>[vector<16xi32>], vector<16xf32>,
        %add3A_232 = arith.constant 24 : i32
        %add3A_233 = vector.broadcast %add3A_232 : i32 to vector<16xi32>
        %add3A_234 = arith.addi %mul3A_57, %add3A_233 : vector<16xi32>
        tpu.vector_store_idx %arg7[%select_n3A, %add3A_234], %gather3A_231 : memref<8x6400xf32, #tpu.memory_space<vmem>>[vector<16xi32>, vector<16xi32>], vector<16xf32>,
        %add3A_235 = arith.constant 25 : i32
        %add3A_236 = vector.broadcast %add3A_235 : i32 to vector<16xi32>
        %add3A_237 = arith.addi %mul3A_60, %add3A_236 : vector<16xi32>
        %gather3A_238 = tpu.vector_load_idx %arg6[%add3A_237] : memref<32000xf32, #tpu.memory_space<vmem>>[vector<16xi32>], vector<16xf32>,
        %add3A_239 = arith.constant 25 : i32
        %add3A_240 = vector.broadcast %add3A_239 : i32 to vector<16xi32>
        %add3A_241 = arith.addi %mul3A_57, %add3A_240 : vector<16xi32>
        tpu.vector_store_idx %arg7[%select_n3A, %add3A_241], %gather3A_238 : memref<8x6400xf32, #tpu.memory_space<vmem>>[vector<16xi32>, vector<16xi32>], vector<16xf32>,
        %add3A_242 = arith.constant 26 : i32
        %add3A_243 = vector.broadcast %add3A_242 : i32 to vector<16xi32>
        %add3A_244 = arith.addi %mul3A_60, %add3A_243 : vector<16xi32>
        %gather3A_245 = tpu.vector_load_idx %arg6[%add3A_244] : memref<32000xf32, #tpu.memory_space<vmem>>[vector<16xi32>], vector<16xf32>,
        %add3A_246 = arith.constant 26 : i32
        %add3A_247 = vector.broadcast %add3A_246 : i32 to vector<16xi32>
        %add3A_248 = arith.addi %mul3A_57, %add3A_247 : vector<16xi32>
        tpu.vector_store_idx %arg7[%select_n3A, %add3A_248], %gather3A_245 : memref<8x6400xf32, #tpu.memory_space<vmem>>[vector<16xi32>, vector<16xi32>], vector<16xf32>,
        %add3A_249 = arith.constant 27 : i32
        %add3A_250 = vector.broadcast %add3A_249 : i32 to vector<16xi32>
        %add3A_251 = arith.addi %mul3A_60, %add3A_250 : vector<16xi32>
        %gather3A_252 = tpu.vector_load_idx %arg6[%add3A_251] : memref<32000xf32, #tpu.memory_space<vmem>>[vector<16xi32>], vector<16xf32>,
        %add3A_253 = arith.constant 27 : i32
        %add3A_254 = vector.broadcast %add3A_253 : i32 to vector<16xi32>
        %add3A_255 = arith.addi %mul3A_57, %add3A_254 : vector<16xi32>
        tpu.vector_store_idx %arg7[%select_n3A, %add3A_255], %gather3A_252 : memref<8x6400xf32, #tpu.memory_space<vmem>>[vector<16xi32>, vector<16xi32>], vector<16xf32>,
        %add3A_256 = arith.constant 28 : i32
        %add3A_257 = vector.broadcast %add3A_256 : i32 to vector<16xi32>
        %add3A_258 = arith.addi %mul3A_60, %add3A_257 : vector<16xi32>
        %gather3A_259 = tpu.vector_load_idx %arg6[%add3A_258] : memref<32000xf32, #tpu.memory_space<vmem>>[vector<16xi32>], vector<16xf32>,
        %add3A_260 = arith.constant 28 : i32
        %add3A_261 = vector.broadcast %add3A_260 : i32 to vector<16xi32>
        %add3A_262 = arith.addi %mul3A_57, %add3A_261 : vector<16xi32>
        tpu.vector_store_idx %arg7[%select_n3A, %add3A_262], %gather3A_259 : memref<8x6400xf32, #tpu.memory_space<vmem>>[vector<16xi32>, vector<16xi32>], vector<16xf32>,
        %add3A_263 = arith.constant 29 : i32
        %add3A_264 = vector.broadcast %add3A_263 : i32 to vector<16xi32>
        %add3A_265 = arith.addi %mul3A_60, %add3A_264 : vector<16xi32>
        %gather3A_266 = tpu.vector_load_idx %arg6[%add3A_265] : memref<32000xf32, #tpu.memory_space<vmem>>[vector<16xi32>], vector<16xf32>,
        %add3A_267 = arith.constant 29 : i32
        %add3A_268 = vector.broadcast %add3A_267 : i32 to vector<16xi32>
        %add3A_269 = arith.addi %mul3A_57, %add3A_268 : vector<16xi32>
        tpu.vector_store_idx %arg7[%select_n3A, %add3A_269], %gather3A_266 : memref<8x6400xf32, #tpu.memory_space<vmem>>[vector<16xi32>, vector<16xi32>], vector<16xf32>,
        %add3A_270 = arith.constant 30 : i32
        %add3A_271 = vector.broadcast %add3A_270 : i32 to vector<16xi32>
        %add3A_272 = arith.addi %mul3A_60, %add3A_271 : vector<16xi32>
        %gather3A_273 = tpu.vector_load_idx %arg6[%add3A_272] : memref<32000xf32, #tpu.memory_space<vmem>>[vector<16xi32>], vector<16xf32>,
        %add3A_274 = arith.constant 30 : i32
        %add3A_275 = vector.broadcast %add3A_274 : i32 to vector<16xi32>
        %add3A_276 = arith.addi %mul3A_57, %add3A_275 : vector<16xi32>
        tpu.vector_store_idx %arg7[%select_n3A, %add3A_276], %gather3A_273 : memref<8x6400xf32, #tpu.memory_space<vmem>>[vector<16xi32>, vector<16xi32>], vector<16xf32>,
        %add3A_277 = arith.constant 31 : i32
        %add3A_278 = vector.broadcast %add3A_277 : i32 to vector<16xi32>
        %add3A_279 = arith.addi %mul3A_60, %add3A_278 : vector<16xi32>
        %gather3A_280 = tpu.vector_load_idx %arg6[%add3A_279] : memref<32000xf32, #tpu.memory_space<vmem>>[vector<16xi32>], vector<16xf32>,
        %add3A_281 = arith.constant 31 : i32
        %add3A_282 = vector.broadcast %add3A_281 : i32 to vector<16xi32>
        %add3A_283 = arith.addi %mul3A_57, %add3A_282 : vector<16xi32>
        tpu.vector_store_idx %arg7[%select_n3A, %add3A_283], %gather3A_280 : memref<8x6400xf32, #tpu.memory_space<vmem>>[vector<16xi32>, vector<16xi32>], vector<16xf32>,
      }
      %scan3A_19 = arith.constant 100 : i32
      "tpu.region"() ({
        %run_scoped3A = tpu.sem_alloc : memref<!tpu.dma_semaphore, #tpu.memory_space<semaphore_mem>>
        %dma_start3A = arith.constant 0 : i32
        %dma_start3A_20 = tpu.memref_slice %arg4[%add3A_11, %dma_start3A] : memref<4096x6400xf32, #tpu.memory_space<hbm>> -> memref<8x6400xf32, #tpu.memory_space<hbm>>
        %dma_start3A_21 = arith.constant 0 : i32
        %dma_start3A_22 = tpu.memref_slice %arg4[%add3A_11, %dma_start3A_21] : memref<4096x6400xf32, #tpu.memory_space<hbm>> -> memref<8x6400xf32, #tpu.memory_space<hbm>>
        tpu.enqueue_dma source(%arg7 : memref<8x6400xf32, #tpu.memory_space<vmem>>) target(%dma_start3A_22 : memref<8x6400xf32, #tpu.memory_space<hbm>>) target_semaphore(%run_scoped3A : memref<!tpu.dma_semaphore, #tpu.memory_space<semaphore_mem>>)
        %dma_wait3A = arith.constant 0 : i32
        %dma_wait3A_23 = tpu.memref_slice %arg4[%add3A_11, %dma_wait3A] : memref<4096x6400xf32, #tpu.memory_space<hbm>> -> memref<8x6400xf32, #tpu.memory_space<hbm>>
        %dma_wait3A_24 = arith.constant 0 : i32
        %dma_wait3A_25 = tpu.memref_slice %arg4[%add3A_11, %dma_wait3A_24] : memref<4096x6400xf32, #tpu.memory_space<hbm>> -> memref<8x6400xf32, #tpu.memory_space<hbm>>
        tpu.wait_dma2 semaphore(%run_scoped3A : memref<!tpu.dma_semaphore, #tpu.memory_space<semaphore_mem>>) src(%arg7 : memref<8x6400xf32, #tpu.memory_space<vmem>>) dst(%dma_wait3A_25 : memref<8x6400xf32, #tpu.memory_space<hbm>>)
        tpu.yield
      }) : () -> ()
    }
    %scan3A_7 = arith.constant 16 : i32
    return
  }
}

module attributes {stable_mosaic.version = 14 : i64} {
  func.func @mm(%arg0: i32, %arg1: memref<256x6400xf32, #tpu.memory_space<vmem>>, %arg2: memref<6400x100xbf16, #tpu.memory_space<vmem>>, %arg3: memref<1x100xf32, #tpu.memory_space<vmem>>, %arg4: memref<256x100xf32, #tpu.memory_space<vmem>>) attributes {dimension_semantics = [#tpu.dimension_semantics<arbitrary>], iteration_bounds = array<i64: 16>, scalar_prefetch = 0 : i64, scratch_operands = 0 : i64, tpu.core_type = #tpu.core_type<tc>, window_params = [{transform_indices = @transform_0, window_bounds = array<i64: 256, 6400>}, {pipeline_mode = #tpu.pipeline_mode<synchronous>, transform_indices = @transform_1, window_bounds = array<i64: 6400, 100>}, {pipeline_mode = #tpu.pipeline_mode<synchronous>, transform_indices = @transform_2, window_bounds = array<i64: 1, 100>}, {transform_indices = @transform_3, window_bounds = array<i64: 256, 100>}]} {
    %get3A = arith.constant 0 : index
    %get3A_0 = arith.constant 0 : index
    %get3A_1 = vector.load %arg1[%get3A, %get3A_0] : memref<256x6400xf32, #tpu.memory_space<vmem>>, vector<256x6400xf32>
    %convert_element_type3A = arith.truncf %get3A_1 : vector<256x6400xf32> to vector<256x6400xbf16>
    %get3A_2 = arith.constant 0 : index
    %get3A_3 = arith.constant 0 : index
    %get3A_4 = vector.load %arg2[%get3A_2, %get3A_3] : memref<6400x100xbf16, #tpu.memory_space<vmem>>, vector<6400x100xbf16>
    %dot_general3A = arith.constant dense<0.000000e+00> : vector<256x100xf32>
    %dot_general3A_5 = tpu.matmul %convert_element_type3A, %get3A_4, %dot_general3A {dimension_numbers = #tpu.dot_dimension_numbers<[1], [0], [0], [1], [0, 0, 1, 1], [], []>, transpose_lhs_hint = false} : vector<256x6400xbf16>, vector<6400x100xbf16>, vector<256x100xf32> -> vector<256x100xf32>
    %get3A_6 = arith.constant 0 : index
    %get3A_7 = arith.constant 0 : index
    %get3A_8 = vector.load %arg3[%get3A_6, %get3A_7] : memref<1x100xf32, #tpu.memory_space<vmem>>, vector<1x100xf32>
    %add3A = vector.broadcast %get3A_8 : vector<1x100xf32> to vector<256x100xf32>
    %add3A_9 = arith.addf %dot_general3A_5, %add3A : vector<256x100xf32>
    %swap3A = arith.constant 0 : index
    %swap3A_10 = arith.constant 0 : index
    %swap3A_11 = vector.load %arg4[%swap3A, %swap3A_10] : memref<256x100xf32, #tpu.memory_space<vmem>>, vector<256x100xf32>
    tpu.vector_store %arg4[%swap3A, %swap3A_10], %add3A_9 {strides = array<i32>} : memref<256x100xf32, #tpu.memory_space<vmem>>, vector<256x100xf32>,
    return
  }
  func.func @transform_0(%arg0: i32) -> (i32, i32) {
    %c0_i32 = arith.constant 0 : i32
    %c0_i32_0 = arith.constant 0 : i32
    return %arg0, %c0_i32 : i32, i32
  }
  func.func @transform_1(%arg0: i32) -> (i32, i32) {
    %c0_i32 = arith.constant 0 : i32
    %c0_i32_0 = arith.constant 0 : i32
    %c0_i32_1 = arith.constant 0 : i32
    return %c0_i32, %c0_i32_0 : i32, i32
  }
  func.func @transform_2(%arg0: i32) -> (i32, i32) {
    %c0_i32 = arith.constant 0 : i32
    %c0_i32_0 = arith.constant 0 : i32
    %c0_i32_1 = arith.constant 0 : i32
    return %c0_i32, %c0_i32_0 : i32, i32
  }
  func.func @transform_3(%arg0: i32) -> (i32, i32) {
    %c0_i32 = arith.constant 0 : i32
    %c0_i32_0 = arith.constant 0 : i32
    return %arg0, %c0_i32 : i32, i32
  }
}

</mosaic_0001>

<sc_bundles>
// kernel: kernel.4.cloned.1.call-start
scs
__scs_entry_jumppad:
0x0: {  	(pc) =	sbr.rel $0x88, $3  }
0x1: {  	(tag) =	ssettag $0x0;
	lr =	simm.s32 $0x1  }
0x2: {  	[smem:$0x3F9D] =	sst lr;
	_ =	strace $0xD0000000  }
0x3: {  	_ = 	snop  }
0x4: {  	_ = 	snop  }
0x5: {  	_ = 	snop  }
0x6: {  	_ = 	snop  }
0x7: {  	_ = 	snop  }
__scs_overlays_trampoline_lowered:
0x8: {  	[smem:$0x3FAC] =	sst s0  }
0x9: {  	[smem:$0x3FAD] =	sst s1  }
0xa: {  	[smem:$0x3FAE] =	sst s2  }
0xb: {  	[smem:$0x3FAF] =	sst s3  }
0xc: {  	[smem:$0x3FB0] =	sst s4  }
0xd: {  	[smem:$0x3FB1] =	sst s5  }
0xe: {  	[smem:$0x3FB2] =	sst s6  }
0xf: {  	[smem:$0x3FB3] =	sst s7  }
0x10: {  	[smem:$0x3FB4] =	sst s8  }
0x11: {  	[smem:$0x3FB5] =	sst s9;
	s0 =	simm.s32 @!p0 $0x0  }
0x12: {  	s1 =	sld [smem:$0x3F9B];
	s0 =	simm.s32 @p0 $0x1  }
0x13: {  	[smem:$0x3FB6] =	sst s0;
	s0 =	simm.s32 @!p1 $0x0  }
0x14: {  	s2 =	sld [smem:$0x3F9A];
	s0 =	simm.s32 @p1 $0x1  }
0x15: {  	[smem:$0x3FB7] =	sst s0;
	s0 =	simm.s32 @!p2 $0x0  }
0x16: {  	s3 =	sld [smem:$0x3FDB];
	s0 =	simm.s32 @p2 $0x1  }
0x17: {  	s4 =	simm.s32 $0x1BF5;
	[smem:$0x3FB9] =	sst s0  }
0x18: {  	s0 =	sld [smem:$0x3F9C];
	_ =	swait.ge [sflag:s4], $0x0  }
0x19: {  	s7 =	sld [smem:$0x3F9D]  }
0x1a: {  	s8 =	sadd.s32 $0xFFFFE003, lr  }
0x1b: {  	s9 =	sadd.s32 $0xFFFFFEF7, lr;
	s5 =	simm.s32 $0xFFFFFFFF;
	p2 =	slt.u32 s8, $0xFFFFF086  }
0x1c: {  	p1 =	slt.u32 s9, $0xF7A;
	s5 =	simm.s32 @!p2 $0x0  }
0x1d: {  	s5 =	simm.s32 @p1 $0x1;
	p0 =	seq.s32 s7, s2  }
0x1e: {  	s7 =	smul.u32 @!p0 $0xF7A, s2;
	p2 =	seq.s32 @!p0 s5, $0x0  }
0x1f: {  	s9 =	smul.u32 $0xF7A, s1;
	s8 =	simm.s32 @!p0 $0x1BF5;
	p2 =	por !p2, p0  }
0x20: {  	[sflag:s8] =	ssyncset.s32 @!p0 $0xFFFFF086;
	s6 =	sadd.s32 @!p0 s3, s7;
	s7 =	simm.s32 @!p0 $0x108  }
0x21: {  	s3 =	sadd.s32 s3, s9;
	s6 =	sadd.s32 @!p0 $0x88, s6;
	s7 =	simm.s32 @p2 $0x1082  }
0x22: {  	[simem:s7], [sflag:s8] =	dma.local @!p0 [hbm:s6], $0xF7A  }
0x23: {  	s9 =	sor.u32 $0xD0000000, s2;
	s6 =	simm.s32 $0x108;
	_ =	swait.ge @!p0 [sflag:s8], $0x0  }
0x24: {  	s3 =	sadd.s32 $0x88, s3;
	s6 =	simm.s32 @!p1 $0x1082;
	[sflag:s4] =	ssyncset.s32 $0xFFFFF086  }
0x25: {  	[simem:s6], [sflag:s4] =	dma.local [hbm:s3], $0xF7A  }
0x26: {  	[smem:$0x3F9D] =	sst s1;
	(tag) =	ssettag s2;
	_ =	strace s9  }
0x27: {  	s1 =	sld [smem:$0x3FAD]  }
0x28: {  	s2 =	sld [smem:$0x3FAE]  }
0x29: {  	s4 =	sld [smem:$0x3FB0]  }
0x2a: {  	p0 =	seq.s32 s5, $0x0;
	s5 =	sld [smem:$0x3FB1]  }
0x2b: {  	s6 =	sld [smem:$0x3FB2]  }
0x2c: {  	s7 =	sld [smem:$0x3FB3]  }
0x2d: {  	s3 =	simm.s32 $0x108;
	s8 =	sld [smem:$0x3FB4]  }
0x2e: {  	s3 =	simm.s32 @!p0 $0x1082;
	s9 =	sld [smem:$0x3FB5]  }
0x2f: {  	lr =	sadd.s32 s0, s3;
	s0 =	sld [smem:$0x3FAC]  }
0x30: {  	s3 =	sld [smem:$0x3FAF]  }
0x31: {  	[smem:$0x3FB8] =	sst s10  }
0x32: {  	s10 =	sld [smem:$0x3FB6];
	_ =	sdelay $0x3  }
0x33: {  	p0 =	seq.s32 s10, $0x1;
	s10 =	sld [smem:$0x3FB8];
	_ =	sdelay $0x3  }
0x34: {  	[smem:$0x3FB8] =	sst s10  }
0x35: {  	s10 =	sld [smem:$0x3FB7];
	_ =	sdelay $0x3  }
0x36: {  	p1 =	seq.s32 s10, $0x1;
	s10 =	sld [smem:$0x3FB8];
	_ =	sdelay $0x3  }
0x37: {  	[smem:$0x3FB8] =	sst s10  }
0x38: {  	s10 =	sld [smem:$0x3FB9]  }
0x39: {  	_ = 	snop;
	(pc) =	sbr.ind lr, $3  }
0x3a: {  	_ = 	snop  }
0x3b: {  	_ = 	snop  }
0x3c: {  	p2 =	seq.s32 s10, $0x1;
	s10 =	sld [smem:$0x3FB8]  }
0x3d: {  	_ =	shalt  }
0x3e: {  	_ =	shalt  }
0x3f: {  	_ =	shalt  }
0x40: {  	_ =	shalt  }
0x41: {  	_ =	shalt  }
0x42: {  	_ =	shalt  }
0x43: {  	_ =	shalt  }
0x44: {  	_ =	shalt  }
0x45: {  	_ =	shalt  }
0x46: {  	_ =	shalt  }
0x47: {  	_ =	shalt  }
0x48: {  	_ =	shalt  }
0x49: {  	_ =	shalt  }
0x4a: {  	_ =	shalt  }
0x4b: {  	_ =	shalt  }
0x4c: {  	_ =	shalt  }
0x4d: {  	_ =	shalt  }
0x4e: {  	_ =	shalt  }
0x4f: {  	_ =	shalt  }
0x50: {  	_ =	shalt  }
0x51: {  	_ =	shalt  }
0x52: {  	_ =	shalt  }
0x53: {  	_ =	shalt  }
0x54: {  	_ =	shalt  }
0x55: {  	_ =	shalt  }
0x56: {  	_ =	shalt  }
0x57: {  	_ =	shalt  }
0x58: {  	_ =	shalt  }
0x59: {  	_ =	shalt  }
0x5a: {  	_ =	shalt  }
0x5b: {  	_ =	shalt  }
0x5c: {  	_ =	shalt  }
0x5d: {  	_ =	shalt  }
0x5e: {  	_ =	shalt  }
0x5f: {  	_ =	shalt  }
0x60: {  	_ =	shalt  }
0x61: {  	_ =	shalt  }
0x62: {  	_ =	shalt  }
0x63: {  	_ =	shalt  }
0x64: {  	_ =	shalt  }
0x65: {  	_ =	shalt  }
0x66: {  	_ =	shalt  }
0x67: {  	_ =	shalt  }
0x68: {  	_ =	shalt  }
0x69: {  	_ =	shalt  }
0x6a: {  	_ =	shalt  }
0x6b: {  	_ =	shalt  }
0x6c: {  	_ =	shalt  }
0x6d: {  	_ =	shalt  }
0x6e: {  	_ =	shalt  }
0x6f: {  	_ =	shalt  }
0x70: {  	_ =	shalt  }
0x71: {  	_ =	shalt  }
0x72: {  	_ =	shalt  }
0x73: {  	_ =	shalt  }
0x74: {  	_ =	shalt  }
0x75: {  	_ =	shalt  }
0x76: {  	_ =	shalt  }
0x77: {  	_ =	shalt  }
0x78: {  	_ =	shalt  }
0x79: {  	_ =	shalt  }
0x7a: {  	_ =	shalt  }
0x7b: {  	_ =	shalt  }
0x7c: {  	_ =	shalt  }
0x7d: {  	_ =	shalt  }
0x7e: {  	_ =	shalt  }
0x7f: {  	_ =	shalt  }
0x80: {  	_ =	shalt  }
0x81: {  	_ =	shalt  }
0x82: {  	_ =	shalt  }
0x83: {  	_ =	shalt  }
0x84: {  	_ =	shalt  }
0x85: {  	_ =	shalt  }
0x86: {  	_ =	shalt  }
0x87: {  	_ =	shalt  }
.Lfunc_end0:
.L_simem_size_0:
called_computation_lowered:
.L_overlay_start_0:
0x88: {  	s2 =	sld [smem:$0x3FD9]  }
0x89: {  	s3 =	sld [smem:$0x3FFE];
	_ =	sdelay $0x1  }
0x8a: {  	s1 =	srdreg.scid  }
0x8b: {  	s0 =	sand.u32 $0x1, s1  }
0x8c: {  	s17 =	sshll.u32 s0, $0xA;
	s2 =	sadd.s32 s3, s2  }
0x8d: {  	s2 =	sadd.s32 s2, s17  }
0x8e: {  	[smem:$0x3FC4] =	sst s2  }
0x8f: {  	_ = 	snop  }
0x90: {  	s2 =	sld [smem:$0x3FD0];
	(tm) =	ssettm $0x1  }
0x91: {  	s18 =	sld [smem:$0x3FFB];
	_ =	sdelay $0x3  }
0x92: {  	_ =	strace s18  }
0x93: {  	s3 =	sld [smem:$0x3FFC];
	_ =	sdelay $0x3  }
0x94: {  	_ =	strace s3  }
0x95: {  	s3 =	sld [smem:$0x3FFD];
	_ =	sdelay $0x3  }
0x96: {  	_ =	strace s3  }
0x97: {  	_ =	strace $0x8FFFFFFF  }
0x98: {  	s19 =	sld [smem:$0x3FDB];
	_ =	sdelay $0x1  }
0x99: {  	s4 =	simm.s32 $_scs_section_size  }
0x9a: {  	s5 =	simm.s32 $_size__tile_overlayer_lowered;
	s6 =	simm.s32 $_tile_overlayer_lowered  }
0x9b: {  	s22 =	simm.s32 $0x1BFF;
	s21 =	sshll.u32 s6, $0x1;
	s3 =	sadd.s32 s4, s19  }
0x9c: {  	s7 =	simm.s32 $0x0;
	s20 =	sshll.u32 s5, $0x1;
	s5 =	sadd.s32 s21, s3  }
0x9d: {  	[timem:s7], [sflag:s22] =	dma.local [hbm:s5], s20  }
0x9e: {  	_ =	swait.ge [sflag:s22], s20  }
0x9f: {  	s4 =	ssub.s32 $0x0, s20;
	[sflag:s22] =	ssyncset.done $0x0  }
0xa0: {  	[sflag:s22] =	ssyncadd.s32 s4;
	_ =	sdelay $0x1  }
0xa1: {  	s23 =	simm.s32 $0x1B8B  }
0xa2: {  	_ =	swait.ge [sflag:s23], $0x1  }
0xa3: {  	[sflag:s23] =	ssyncset.done $0x0  }
0xa4: {  	s25 =	simm.s32 $0x1B8E;
	s24 =	sld [smem:$0x3FFE];
	[sflag:s23] =	ssyncadd.s32 $0xFFFFFFFF  }
0xa5: {  	s26 =	simm.s32 $execute0_lowered;
	[smem:$0x3FD2] =	sst s25  }
0xa6: {  	s5 =	sshll.u32 s26, $0x1;
	_ =	strace $0x80000046;
	[dreg:$0x1] =	wrdreg $0xFFFFFFFF  }
0xa7: {  	s28 =	simm.s32 $_size_execute0_lowered;
	s3 =	sadd.s32 s3, s5;
	[dreg:$0x0] =	wrdreg $0x0  }
0xa8: {  	s5 =	sshll.u32 s28, $0x1;
	[dreg:$0x2] =	wrdreg s3  }
0xa9: {  	[dreg:$0x3] =	wrdreg s5  }
0xaa: {  	[dreg:$0x4] =	wrdreg $0xC0  }
0xab: {  	_ =	task [dreg:s7], $0x5FFFF  }
0xac: {  	[dreg:$0x1] =	wrdreg $0xFFFFFFFF  }
0xad: {  	[dreg:$0x0] =	wrdreg $0x60  }
0xae: {  	[dreg:$0x2] =	wrdreg s24  }
0xaf: {  	[dreg:$0x3] =	wrdreg s2  }
0xb0: {  	[dreg:$0x4] =	wrdreg $0x9  }
0xb1: {  	_ =	task.clear_ibuf [dreg:s7], $0x5FFFF;
	_ =	strace $0x90000046  }
0xb2: {  	s29 =	simm.s32 $0x9;
	_ =	strace $0x80000048  }
0xb3: {  	_ =	swait.ge [sflag:s29], $0x1  }
0xb4: {  	[sflag:s29] =	ssyncadd.s32 $0xFFFFFFFF  }
0xb5: {  	_ =	strace $0x90000048  }
0xb6: {  	_ =	sfence  }
0xb7: {  	s30 =	sld [smem:$0x0];
	_ =	sdelay $0x2  }
0xb8: {  	s31 =	sshll.u32 s1, $0xD;
	s1 =	sshrl.u32 s1, $0x2  }
0xb9: {  	s3 =	sand.u32 $0x4000, s31;
	s1 =	sadd.s32 s1, s30  }
0xba: {  	s0 =	sor.u32 s3, s0;
	s1 =	sshll.u32 s1, $0x11  }
0xbb: {  	s0 =	sor.u32 s1, s0  }
0xbc: {  	s0 =	sadd.s32 $0x8F2B, s0  }
0xbd: {  	[sflag:s0] =	ssyncadd.remote.s32 $0x1  }
0xbe: {  	_ =	sfence.sel $0xFFFF  }
0xbf: {  	[dreg:$0x0] =	wrdreg $0xFFFFFFFF;
	(pc) =	sbr.abs _section_cstart, $3  }
0xc0: {  	[dreg:$0x1] =	wrdreg $0xFFFFFFFF  }
0xc1: {  	_ =	task.clear_ibuf [dreg:s7], $0x2FFFF;
	_ =	strace $0x9FFFFFFF  }
0xc2: {  	(tm) =	ssettm $0x7FFFFFFF  }
0xc3: {  	_ =	shalt  }
tec
execute0_lowered:
.L_overlay_start_1:
0x0: {  	(tag) =	ssettag $0x1  }
0x1: {  	v0 =	vlaneseq.u32  }
0x2: {  	v1 =	vand.u32 $0x3, v0  }
0x3: {  	v1 =	vmul.u32 $0x20, v1;
	_ =	sdelay $0x1  }
0x4: {  	v3 =	vimm.s32 $0x0;
	v2 =	vmul.u32 $0xFFFFFFFF, v0;
	v4 =	vor.u32 $0x1, v1  }
0x5: {  	v5 =	vor.u32 $0x2, v1;
	v6 =	vor.u32 $0x3, v1;
	v7 =	vor.u32 $0x4, v1  }
0x6: {  	s4 =	rddreg [dreg:$0x0];
	v8 =	vor.u32 $0x5, v1;
	v9 =	vor.u32 $0x6, v1;
	v10 =	vor.u32 $0x7, v1  }
0x7: {  	s1 =	rddreg [dreg:$0x1];
	v11 =	vor.u32 $0x8, v1;
	v12 =	vor.u32 $0x9, v1;
	v13 =	vor.u32 $0xA, v1  }
0x8: {  	s0 =	rddreg [dreg:$0x2];
	s2 =	simm.s32 $0x0;
	v14 =	vor.u32 $0xB, v1;
	v15 =	vor.u32 $0xC, v1;
	v16 =	vor.u32 $0xD, v1  }
0x9: {  	s3 =	srdreg.scid;
	s9 =	simm.s32 $0x1;
	s10 =	simm.s32 $0x8380;
	v17 =	vor.u32 $0xE, v1;
	v18 =	vor.u32 $0xF, v1;
	v19 =	vor.u32 $0x10, v1  }
0xa: {  	s11 =	simm.s32 $0x0;
	[smem:$0x7FF] =	sst s2;
	s6 =	sand.u32 $0x1, s3;
	v20 =	vor.u32 $0x11, v1;
	v21 =	vor.u32 $0x12, v1;
	v22 =	vor.u32 $0x13, v1  }
0xb: {  	s3 =	sadd.s32 $0xA00, s4;
	s5 =	sadd.s32 $0x19A00, s4;
	s7 =	ssub.s32 $0x2, s6;
	v23 =	vor.u32 $0x14, v1;
	v24 =	vor.u32 $0x15, v1;
	v25 =	vor.u32 $0x16, v1  }
0xc: {  	s4 =	stileid.u32;
	_ =	strace $0x80000047;
	s8 =	sshrl.u32 s7, $0x1;
	v26 =	vor.u32 $0x17, v1;
	v27 =	vor.u32 $0x18, v1;
	v28 =	vor.u32 $0x19, v1  }
0xd: {  	s31 =	sshll.u32 s4, $0x8;
	s6 =	sshll.u32 s6, $0x7;
	s7 =	ssub.s32 s7, s8;
	v29 =	vor.u32 $0x1A, v1;
	v30 =	vor.u32 $0x1B, v1;
	v31 =	vor.u32 $0x1C, v1  }
0xe: {  	s6 =	sor.u32 s6, s31;
	s8 =	simm.s32 $0x680;
	v32 =	vor.u32 $0x1D, v1;
	v33 =	vor.u32 $0x1E, v1;
	v34 =	vor.u32 $0x1F, v1;
	s7 =	smax.u32 s7, $0x1  }
.LBB2_1:
0xf: {  	[tilespmem:s8], [sflag:$0x1] =	stream.linear.gather [hbm4b:s1+s2], $0x7D00, $0x38;
	[tilespmem:$0x14B80] =	vst v63  }
0x10: {  	_ =	swait.ge [sflag:s9], $0x7D00  }
0x11: {  	[sflag:s9] =	ssyncset.done $0x0  }
0x12: {  	s12 =	simm.s32 $0x0;
	[sflag:s9] =	ssyncadd.s32 $0xFFFF8300  }
.LBB2_2:
0x13: {  	s13 =	sshll.u32 s12, $0x3  }
0x14: {  	s14 =	simm.s32 $0x0;
	s13 =	sadd.s32 s6, s13  }
0x15: {  	v36 =	vor.u32 s14, v0;
	s15 =	smul.u32 $0x19, s13  }
0x16: {  	v35 =	vmulhi.u32 $0x51EB851F, v36  }
0x17: {  	s15 =	sadd.s32 s3, s15  }
0x18: {  	v35 =	vshrl.u32 v35, $0x6;
	[tilespmem:s14], [sflag:$0x1] =	stream.linear.gather [hbm4b:s15+s14], $0x640, $0x38;
	[tilespmem:$0x14B80] =	vst v63  }
0x19: {  	v37 =	vmov s14;
	v38 =	vmul.u32 $0xFFFFFF38, v35;
	_ =	swait.ge [sflag:s9], $0x640  }
0x1a: {  	v39 =	vsub.s32 v2, v37;
	[sflag:s9] =	ssyncset.done $0x0  }
0x1b: {  	vm0 =	veq.s32 v37, v0;
	vm1 =	vne.s32 v38, v39;
	[sflag:s9] =	ssyncadd.s32 $0xFFFFF9C0  }
0x1c: {  	vm0 =	vmand vm0, vm1;
	v61 =	vld [tilespmem:s14+$0x0]  }
0x1d: {  	v62 =	vsel vm0, $0xFFFFFFFF, v3  }
0x1e: {  	v38 =	vadd.s32 v62, v35  }
0x1f: {  	v63 =	vmul.u32 $0xFFFF38, v38;
	_ =	sdelay $0x1  }
0x20: {  	v40 =	vshrl.u32 v38, $0x3;
	v36 =	vadd.s32 v36, v63;
	v35 =	vshll.u32 v61, $0x5  }
0x21: {  	v42 =	vmul.u32 $0xC800, v40;
	v36 =	vshll.u32 v36, $0x8  }
0x22: {  	v38 =	vshll.u32 v38, $0x7;
	v36 =	vand.u32 $0xFFFFFC00, v36  }
0x23: {  	v43 =	vand.u32 $0x380, v38;
	v36 =	vadd.s32 v42, v36  }
0x24: {  	v36 =	vor.u32 v43, v36  }
0x25: {  	v45 =	vor.u32 v1, v36;
	v44 =	vld.idx.msk [tilespmem:v35+s8+$0x0], $0xffff  }
0x26: {  	v46 =	vor.u32 $0x1, v35;
	_ =	sdelay $0x3  }
0x27: {  	[tilespmem:v45+s10+$0x0] =	vst.idx.msk $0xffff, v44  }
0x28: {  	v47 =	vor.u32 v4, v36;
	v37 =	vld.idx.msk [tilespmem:v46+s8+$0x0], $0xffff  }
0x29: {  	v48 =	vor.u32 $0x2, v35;
	_ =	sdelay $0x3  }
0x2a: {  	[tilespmem:v47+s10+$0x0] =	vst.idx.msk $0xffff, v37  }
0x2b: {  	v49 =	vor.u32 v5, v36;
	v37 =	vld.idx.msk [tilespmem:v48+s8+$0x0], $0xffff  }
0x2c: {  	v50 =	vor.u32 $0x3, v35;
	_ =	sdelay $0x3  }
0x2d: {  	[tilespmem:v49+s10+$0x0] =	vst.idx.msk $0xffff, v37  }
0x2e: {  	v51 =	vor.u32 v6, v36;
	v37 =	vld.idx.msk [tilespmem:v50+s8+$0x0], $0xffff  }
0x2f: {  	v52 =	vor.u32 $0x4, v35;
	_ =	sdelay $0x3  }
0x30: {  	[tilespmem:v51+s10+$0x0] =	vst.idx.msk $0xffff, v37  }
0x31: {  	v53 =	vor.u32 v7, v36;
	v37 =	vld.idx.msk [tilespmem:v52+s8+$0x0], $0xffff  }
0x32: {  	v54 =	vor.u32 $0x5, v35;
	_ =	sdelay $0x3  }
0x33: {  	[tilespmem:v53+s10+$0x0] =	vst.idx.msk $0xffff, v37  }
0x34: {  	v55 =	vor.u32 v8, v36;
	v37 =	vld.idx.msk [tilespmem:v54+s8+$0x0], $0xffff  }
0x35: {  	v56 =	vor.u32 $0x6, v35;
	_ =	sdelay $0x3  }
0x36: {  	[tilespmem:v55+s10+$0x0] =	vst.idx.msk $0xffff, v37  }
0x37: {  	v57 =	vor.u32 v9, v36;
	v37 =	vld.idx.msk [tilespmem:v56+s8+$0x0], $0xffff  }
0x38: {  	v58 =	vor.u32 $0x7, v35;
	_ =	sdelay $0x3  }
0x39: {  	[tilespmem:v57+s10+$0x0] =	vst.idx.msk $0xffff, v37  }
0x3a: {  	v59 =	vor.u32 v10, v36;
	v37 =	vld.idx.msk [tilespmem:v58+s8+$0x0], $0xffff  }
0x3b: {  	v60 =	vor.u32 $0x8, v35;
	_ =	sdelay $0x3  }
0x3c: {  	[tilespmem:v59+s10+$0x0] =	vst.idx.msk $0xffff, v37  }
0x3d: {  	v61 =	vor.u32 v11, v36;
	v37 =	vld.idx.msk [tilespmem:v60+s8+$0x0], $0xffff  }
0x3e: {  	v62 =	vor.u32 $0x9, v35;
	_ =	sdelay $0x3  }
0x3f: {  	[tilespmem:v61+s10+$0x0] =	vst.idx.msk $0xffff, v37  }
0x40: {  	v63 =	vor.u32 v12, v36;
	v37 =	vld.idx.msk [tilespmem:v62+s8+$0x0], $0xffff  }
0x41: {  	v42 =	vor.u32 $0xA, v35;
	_ =	sdelay $0x3  }
0x42: {  	[tilespmem:v63+s10+$0x0] =	vst.idx.msk $0xffff, v37  }
0x43: {  	v43 =	vor.u32 v13, v36;
	v37 =	vld.idx.msk [tilespmem:v42+s8+$0x0], $0xffff  }
0x44: {  	v44 =	vor.u32 $0xB, v35;
	_ =	sdelay $0x3  }
0x45: {  	[tilespmem:v43+s10+$0x0] =	vst.idx.msk $0xffff, v37  }
0x46: {  	v45 =	vor.u32 v14, v36;
	v37 =	vld.idx.msk [tilespmem:v44+s8+$0x0], $0xffff  }
0x47: {  	v46 =	vor.u32 $0xC, v35;
	_ =	sdelay $0x3  }
0x48: {  	[tilespmem:v45+s10+$0x0] =	vst.idx.msk $0xffff, v37  }
0x49: {  	v47 =	vor.u32 v15, v36;
	v37 =	vld.idx.msk [tilespmem:v46+s8+$0x0], $0xffff  }
0x4a: {  	v48 =	vor.u32 $0xD, v35;
	_ =	sdelay $0x3  }
0x4b: {  	[tilespmem:v47+s10+$0x0] =	vst.idx.msk $0xffff, v37  }
0x4c: {  	v49 =	vor.u32 v16, v36;
	v37 =	vld.idx.msk [tilespmem:v48+s8+$0x0], $0xffff  }
0x4d: {  	v50 =	vor.u32 $0xE, v35;
	_ =	sdelay $0x3  }
0x4e: {  	[tilespmem:v49+s10+$0x0] =	vst.idx.msk $0xffff, v37  }
0x4f: {  	v51 =	vor.u32 v17, v36;
	v37 =	vld.idx.msk [tilespmem:v50+s8+$0x0], $0xffff  }
0x50: {  	v52 =	vor.u32 $0xF, v35;
	_ =	sdelay $0x3  }
0x51: {  	[tilespmem:v51+s10+$0x0] =	vst.idx.msk $0xffff, v37  }
0x52: {  	v53 =	vor.u32 v18, v36;
	v37 =	vld.idx.msk [tilespmem:v52+s8+$0x0], $0xffff  }
0x53: {  	v54 =	vor.u32 $0x10, v35;
	_ =	sdelay $0x3  }
0x54: {  	[tilespmem:v53+s10+$0x0] =	vst.idx.msk $0xffff, v37  }
0x55: {  	v55 =	vor.u32 v19, v36;
	v37 =	vld.idx.msk [tilespmem:v54+s8+$0x0], $0xffff  }
0x56: {  	v56 =	vor.u32 $0x11, v35;
	_ =	sdelay $0x3  }
0x57: {  	[tilespmem:v55+s10+$0x0] =	vst.idx.msk $0xffff, v37  }
0x58: {  	v57 =	vor.u32 v20, v36;
	v37 =	vld.idx.msk [tilespmem:v56+s8+$0x0], $0xffff  }
0x59: {  	v58 =	vor.u32 $0x12, v35;
	_ =	sdelay $0x3  }
0x5a: {  	[tilespmem:v57+s10+$0x0] =	vst.idx.msk $0xffff, v37  }
0x5b: {  	v59 =	vor.u32 v21, v36;
	v37 =	vld.idx.msk [tilespmem:v58+s8+$0x0], $0xffff  }
0x5c: {  	v60 =	vor.u32 $0x13, v35;
	_ =	sdelay $0x3  }
0x5d: {  	[tilespmem:v59+s10+$0x0] =	vst.idx.msk $0xffff, v37  }
0x5e: {  	v61 =	vor.u32 v22, v36;
	v37 =	vld.idx.msk [tilespmem:v60+s8+$0x0], $0xffff  }
0x5f: {  	v62 =	vor.u32 $0x14, v35;
	_ =	sdelay $0x3  }
0x60: {  	[tilespmem:v61+s10+$0x0] =	vst.idx.msk $0xffff, v37  }
0x61: {  	v63 =	vor.u32 v23, v36;
	v37 =	vld.idx.msk [tilespmem:v62+s8+$0x0], $0xffff  }
0x62: {  	v42 =	vor.u32 $0x15, v35;
	_ =	sdelay $0x3  }
0x63: {  	[tilespmem:v63+s10+$0x0] =	vst.idx.msk $0xffff, v37  }
0x64: {  	v43 =	vor.u32 v24, v36;
	v37 =	vld.idx.msk [tilespmem:v42+s8+$0x0], $0xffff  }
0x65: {  	v44 =	vor.u32 $0x16, v35;
	_ =	sdelay $0x3  }
0x66: {  	[tilespmem:v43+s10+$0x0] =	vst.idx.msk $0xffff, v37  }
0x67: {  	v45 =	vor.u32 v25, v36;
	v37 =	vld.idx.msk [tilespmem:v44+s8+$0x0], $0xffff  }
0x68: {  	v46 =	vor.u32 $0x17, v35;
	_ =	sdelay $0x3  }
0x69: {  	[tilespmem:v45+s10+$0x0] =	vst.idx.msk $0xffff, v37  }
0x6a: {  	v47 =	vor.u32 v26, v36;
	v37 =	vld.idx.msk [tilespmem:v46+s8+$0x0], $0xffff  }
0x6b: {  	v48 =	vor.u32 $0x18, v35;
	_ =	sdelay $0x3  }
0x6c: {  	[tilespmem:v47+s10+$0x0] =	vst.idx.msk $0xffff, v37  }
0x6d: {  	v49 =	vor.u32 v27, v36;
	v37 =	vld.idx.msk [tilespmem:v48+s8+$0x0], $0xffff  }
0x6e: {  	v50 =	vor.u32 $0x19, v35;
	_ =	sdelay $0x3  }
0x6f: {  	[tilespmem:v49+s10+$0x0] =	vst.idx.msk $0xffff, v37  }
0x70: {  	v51 =	vor.u32 v28, v36;
	v37 =	vld.idx.msk [tilespmem:v50+s8+$0x0], $0xffff  }
0x71: {  	v52 =	vor.u32 $0x1A, v35;
	_ =	sdelay $0x3  }
0x72: {  	[tilespmem:v51+s10+$0x0] =	vst.idx.msk $0xffff, v37  }
0x73: {  	v53 =	vor.u32 v29, v36;
	v37 =	vld.idx.msk [tilespmem:v52+s8+$0x0], $0xffff  }
0x74: {  	v54 =	vor.u32 $0x1B, v35;
	_ =	sdelay $0x3  }
0x75: {  	[tilespmem:v53+s10+$0x0] =	vst.idx.msk $0xffff, v37  }
0x76: {  	v55 =	vor.u32 v30, v36;
	v37 =	vld.idx.msk [tilespmem:v54+s8+$0x0], $0xffff  }
0x77: {  	v56 =	vor.u32 $0x1C, v35;
	_ =	sdelay $0x3  }
0x78: {  	[tilespmem:v55+s10+$0x0] =	vst.idx.msk $0xffff, v37  }
0x79: {  	v57 =	vor.u32 v31, v36;
	v37 =	vld.idx.msk [tilespmem:v56+s8+$0x0], $0xffff  }
0x7a: {  	v58 =	vor.u32 $0x1D, v35;
	_ =	sdelay $0x3  }
0x7b: {  	[tilespmem:v57+s10+$0x0] =	vst.idx.msk $0xffff, v37  }
0x7c: {  	v59 =	vor.u32 v32, v36;
	v37 =	vld.idx.msk [tilespmem:v58+s8+$0x0], $0xffff  }
0x7d: {  	v60 =	vor.u32 $0x1E, v35;
	_ =	sdelay $0x3  }
0x7e: {  	[tilespmem:v59+s10+$0x0] =	vst.idx.msk $0xffff, v37  }
0x7f: {  	v61 =	vor.u32 v33, v36;
	v38 =	vld.idx.msk [tilespmem:v60+s8+$0x0], $0xffff  }
0x80: {  	v62 =	vor.u32 $0x1F, v35;
	_ =	sdelay $0x2  }
0x81: {  	s16 =	simm.s32 $0x10  }
0x82: {  	v37 =	vor.u32 s16, v0;
	[tilespmem:v61+s10+$0x0] =	vst.idx.msk $0xffff, v38  }
0x83: {  	v39 =	vor.u32 v34, v36;
	v63 =	vmulhi.u32 $0x51EB851F, v37;
	v38 =	vld.idx.msk [tilespmem:v62+s8+$0x0], $0xffff;
	_ =	sdelay $0x1  }
0x84: {  	v35 =	vshrl.u32 v63, $0x6  }
0x85: {  	s15 =	simm.s32 $0x20;
	v36 =	vmov s16;
	v40 =	vmul.u32 $0xFFFFFF38, v35  }
.LBB2_3:
0x86: {  	p0 =	sne.s32 s15, $0x630  }
0x87: {  	v41 =	vsub.s32 v2, v36;
	[tilespmem:v39+s10+$0x0] =	vst.idx.msk $0xffff, v38;
	s14 =	sadd.s32 $0x10, s14;
	s16 =	smov.u32 s15;
	s15 =	sadd.s32 $0x10, s15  }
0x88: {  	vm0 =	veq.s32 v36, v0;
	v38 =	vld [tilespmem:s14+$0x0];
	vm1 =	vne.s32 v40, v41  }
0x89: {  	vm0 =	vmand vm0, vm1  }
0x8a: {  	v36 =	vsel vm0, $0xFFFFFFFF, v3  }
0x8b: {  	v35 =	vadd.s32 v36, v35  }
0x8c: {  	v36 =	vmul.u32 $0xFFFF38, v35;
	v39 =	vshrl.u32 v35, $0x3;
	v40 =	vshll.u32 v35, $0x7  }
0x8d: {  	v35 =	vshll.u32 v38, $0x5  }
0x8e: {  	v36 =	vadd.s32 v37, v36  }
0x8f: {  	v37 =	vmul.u32 $0xC800, v39;
	v36 =	vshll.u32 v36, $0x8  }
0x90: {  	v36 =	vand.u32 $0xFFFFFC00, v36  }
0x91: {  	v36 =	vadd.s32 v37, v36;
	v37 =	vand.u32 $0x380, v40  }
0x92: {  	v38 =	vld.idx.msk [tilespmem:v35+s8+$0x0], $0xffff;
	v36 =	vor.u32 v37, v36  }
0x93: {  	v37 =	vor.u32 v1, v36  }
0x94: {  	v39 =	vor.u32 $0x1, v35;
	_ =	sdelay $0x3  }
0x95: {  	[tilespmem:v37+s10+$0x0] =	vst.idx.msk $0xffff, v38  }
0x96: {  	v37 =	vld.idx.msk [tilespmem:v39+s8+$0x0], $0xffff  }
0x97: {  	v38 =	vor.u32 v4, v36  }
0x98: {  	v39 =	vor.u32 $0x2, v35;
	_ =	sdelay $0x3  }
0x99: {  	[tilespmem:v38+s10+$0x0] =	vst.idx.msk $0xffff, v37  }
0x9a: {  	v37 =	vld.idx.msk [tilespmem:v39+s8+$0x0], $0xffff  }
0x9b: {  	v38 =	vor.u32 v5, v36  }
0x9c: {  	v39 =	vor.u32 $0x3, v35;
	_ =	sdelay $0x3  }
0x9d: {  	[tilespmem:v38+s10+$0x0] =	vst.idx.msk $0xffff, v37  }
0x9e: {  	v37 =	vld.idx.msk [tilespmem:v39+s8+$0x0], $0xffff  }
0x9f: {  	v38 =	vor.u32 v6, v36  }
0xa0: {  	v39 =	vor.u32 $0x4, v35;
	_ =	sdelay $0x3  }
0xa1: {  	[tilespmem:v38+s10+$0x0] =	vst.idx.msk $0xffff, v37  }
0xa2: {  	v37 =	vld.idx.msk [tilespmem:v39+s8+$0x0], $0xffff  }
0xa3: {  	v38 =	vor.u32 v7, v36  }
0xa4: {  	v39 =	vor.u32 $0x5, v35;
	_ =	sdelay $0x3  }
0xa5: {  	[tilespmem:v38+s10+$0x0] =	vst.idx.msk $0xffff, v37  }
0xa6: {  	v37 =	vld.idx.msk [tilespmem:v39+s8+$0x0], $0xffff  }
0xa7: {  	v38 =	vor.u32 v8, v36  }
0xa8: {  	v39 =	vor.u32 $0x6, v35;
	_ =	sdelay $0x3  }
0xa9: {  	[tilespmem:v38+s10+$0x0] =	vst.idx.msk $0xffff, v37  }
0xaa: {  	v37 =	vld.idx.msk [tilespmem:v39+s8+$0x0], $0xffff  }
0xab: {  	v38 =	vor.u32 v9, v36  }
0xac: {  	v39 =	vor.u32 $0x7, v35;
	_ =	sdelay $0x3  }
0xad: {  	[tilespmem:v38+s10+$0x0] =	vst.idx.msk $0xffff, v37  }
0xae: {  	v37 =	vld.idx.msk [tilespmem:v39+s8+$0x0], $0xffff  }
0xaf: {  	v38 =	vor.u32 v10, v36  }
0xb0: {  	v39 =	vor.u32 $0x8, v35;
	_ =	sdelay $0x3  }
0xb1: {  	[tilespmem:v38+s10+$0x0] =	vst.idx.msk $0xffff, v37  }
0xb2: {  	v37 =	vld.idx.msk [tilespmem:v39+s8+$0x0], $0xffff  }
0xb3: {  	v38 =	vor.u32 v11, v36  }
0xb4: {  	v39 =	vor.u32 $0x9, v35;
	_ =	sdelay $0x3  }
0xb5: {  	[tilespmem:v38+s10+$0x0] =	vst.idx.msk $0xffff, v37  }
0xb6: {  	v37 =	vld.idx.msk [tilespmem:v39+s8+$0x0], $0xffff  }
0xb7: {  	v38 =	vor.u32 v12, v36  }
0xb8: {  	v39 =	vor.u32 $0xA, v35;
	_ =	sdelay $0x3  }
0xb9: {  	[tilespmem:v38+s10+$0x0] =	vst.idx.msk $0xffff, v37  }
0xba: {  	v37 =	vld.idx.msk [tilespmem:v39+s8+$0x0], $0xffff  }
0xbb: {  	v38 =	vor.u32 v13, v36  }
0xbc: {  	v39 =	vor.u32 $0xB, v35;
	_ =	sdelay $0x3  }
0xbd: {  	[tilespmem:v38+s10+$0x0] =	vst.idx.msk $0xffff, v37  }
0xbe: {  	v37 =	vld.idx.msk [tilespmem:v39+s8+$0x0], $0xffff  }
0xbf: {  	v38 =	vor.u32 v14, v36  }
0xc0: {  	v39 =	vor.u32 $0xC, v35;
	_ =	sdelay $0x3  }
0xc1: {  	[tilespmem:v38+s10+$0x0] =	vst.idx.msk $0xffff, v37  }
0xc2: {  	v37 =	vld.idx.msk [tilespmem:v39+s8+$0x0], $0xffff  }
0xc3: {  	v38 =	vor.u32 v15, v36  }
0xc4: {  	v39 =	vor.u32 $0xD, v35;
	_ =	sdelay $0x3  }
0xc5: {  	[tilespmem:v38+s10+$0x0] =	vst.idx.msk $0xffff, v37  }
0xc6: {  	v37 =	vld.idx.msk [tilespmem:v39+s8+$0x0], $0xffff  }
0xc7: {  	v38 =	vor.u32 v16, v36  }
0xc8: {  	v39 =	vor.u32 $0xE, v35;
	_ =	sdelay $0x3  }
0xc9: {  	[tilespmem:v38+s10+$0x0] =	vst.idx.msk $0xffff, v37  }
0xca: {  	v37 =	vld.idx.msk [tilespmem:v39+s8+$0x0], $0xffff  }
0xcb: {  	v38 =	vor.u32 v17, v36  }
0xcc: {  	v39 =	vor.u32 $0xF, v35;
	_ =	sdelay $0x3  }
0xcd: {  	[tilespmem:v38+s10+$0x0] =	vst.idx.msk $0xffff, v37  }
0xce: {  	v37 =	vld.idx.msk [tilespmem:v39+s8+$0x0], $0xffff  }
0xcf: {  	v38 =	vor.u32 v18, v36  }
0xd0: {  	v39 =	vor.u32 $0x10, v35;
	_ =	sdelay $0x3  }
0xd1: {  	[tilespmem:v38+s10+$0x0] =	vst.idx.msk $0xffff, v37  }
0xd2: {  	v37 =	vld.idx.msk [tilespmem:v39+s8+$0x0], $0xffff  }
0xd3: {  	v38 =	vor.u32 v19, v36  }
0xd4: {  	v39 =	vor.u32 $0x11, v35;
	_ =	sdelay $0x3  }
0xd5: {  	[tilespmem:v38+s10+$0x0] =	vst.idx.msk $0xffff, v37  }
0xd6: {  	v37 =	vld.idx.msk [tilespmem:v39+s8+$0x0], $0xffff  }
0xd7: {  	v38 =	vor.u32 v20, v36  }
0xd8: {  	v39 =	vor.u32 $0x12, v35;
	_ =	sdelay $0x3  }
0xd9: {  	[tilespmem:v38+s10+$0x0] =	vst.idx.msk $0xffff, v37  }
0xda: {  	v37 =	vld.idx.msk [tilespmem:v39+s8+$0x0], $0xffff  }
0xdb: {  	v38 =	vor.u32 v21, v36  }
0xdc: {  	v39 =	vor.u32 $0x13, v35;
	_ =	sdelay $0x3  }
0xdd: {  	[tilespmem:v38+s10+$0x0] =	vst.idx.msk $0xffff, v37  }
0xde: {  	v37 =	vld.idx.msk [tilespmem:v39+s8+$0x0], $0xffff  }
0xdf: {  	v38 =	vor.u32 v22, v36  }
0xe0: {  	v39 =	vor.u32 $0x14, v35;
	_ =	sdelay $0x3  }
0xe1: {  	[tilespmem:v38+s10+$0x0] =	vst.idx.msk $0xffff, v37  }
0xe2: {  	v37 =	vld.idx.msk [tilespmem:v39+s8+$0x0], $0xffff  }
0xe3: {  	v38 =	vor.u32 v23, v36  }
0xe4: {  	v39 =	vor.u32 $0x15, v35;
	_ =	sdelay $0x3  }
0xe5: {  	[tilespmem:v38+s10+$0x0] =	vst.idx.msk $0xffff, v37  }
0xe6: {  	v37 =	vld.idx.msk [tilespmem:v39+s8+$0x0], $0xffff  }
0xe7: {  	v38 =	vor.u32 v24, v36  }
0xe8: {  	v39 =	vor.u32 $0x16, v35;
	_ =	sdelay $0x3  }
0xe9: {  	[tilespmem:v38+s10+$0x0] =	vst.idx.msk $0xffff, v37  }
0xea: {  	v37 =	vld.idx.msk [tilespmem:v39+s8+$0x0], $0xffff  }
0xeb: {  	v38 =	vor.u32 v25, v36  }
0xec: {  	v39 =	vor.u32 $0x17, v35;
	_ =	sdelay $0x3  }
0xed: {  	[tilespmem:v38+s10+$0x0] =	vst.idx.msk $0xffff, v37  }
0xee: {  	v37 =	vld.idx.msk [tilespmem:v39+s8+$0x0], $0xffff  }
0xef: {  	v38 =	vor.u32 v26, v36  }
0xf0: {  	v39 =	vor.u32 $0x18, v35;
	_ =	sdelay $0x3  }
0xf1: {  	[tilespmem:v38+s10+$0x0] =	vst.idx.msk $0xffff, v37  }
0xf2: {  	v37 =	vld.idx.msk [tilespmem:v39+s8+$0x0], $0xffff  }
0xf3: {  	v38 =	vor.u32 v27, v36  }
0xf4: {  	v39 =	vor.u32 $0x19, v35;
	_ =	sdelay $0x3  }
0xf5: {  	[tilespmem:v38+s10+$0x0] =	vst.idx.msk $0xffff, v37  }
0xf6: {  	v37 =	vld.idx.msk [tilespmem:v39+s8+$0x0], $0xffff  }
0xf7: {  	v38 =	vor.u32 v28, v36  }
0xf8: {  	v39 =	vor.u32 $0x1A, v35;
	_ =	sdelay $0x3  }
0xf9: {  	[tilespmem:v38+s10+$0x0] =	vst.idx.msk $0xffff, v37  }
0xfa: {  	v37 =	vld.idx.msk [tilespmem:v39+s8+$0x0], $0xffff  }
0xfb: {  	v38 =	vor.u32 v29, v36  }
0xfc: {  	v39 =	vor.u32 $0x1B, v35;
	_ =	sdelay $0x3  }
0xfd: {  	[tilespmem:v38+s10+$0x0] =	vst.idx.msk $0xffff, v37  }
0xfe: {  	v37 =	vld.idx.msk [tilespmem:v39+s8+$0x0], $0xffff  }
0xff: {  	v38 =	vor.u32 v30, v36  }
0x100: {  	v39 =	vor.u32 $0x1C, v35;
	_ =	sdelay $0x3  }
0x101: {  	[tilespmem:v38+s10+$0x0] =	vst.idx.msk $0xffff, v37  }
0x102: {  	v37 =	vld.idx.msk [tilespmem:v39+s8+$0x0], $0xffff  }
0x103: {  	v38 =	vor.u32 v31, v36  }
0x104: {  	v39 =	vor.u32 $0x1D, v35;
	_ =	sdelay $0x3  }
0x105: {  	[tilespmem:v38+s10+$0x0] =	vst.idx.msk $0xffff, v37  }
0x106: {  	v37 =	vld.idx.msk [tilespmem:v39+s8+$0x0], $0xffff  }
0x107: {  	v38 =	vor.u32 v32, v36  }
0x108: {  	v39 =	vor.u32 $0x1E, v35;
	_ =	sdelay $0x3  }
0x109: {  	[tilespmem:v38+s10+$0x0] =	vst.idx.msk $0xffff, v37  }
0x10a: {  	v37 =	vld.idx.msk [tilespmem:v39+s8+$0x0], $0xffff  }
0x10b: {  	v38 =	vor.u32 v33, v36  }
0x10c: {  	v35 =	vor.u32 $0x1F, v35;
	_ =	sdelay $0x3  }
0x10d: {  	[tilespmem:v38+s10+$0x0] =	vst.idx.msk $0xffff, v37  }
0x10e: {  	v38 =	vld.idx.msk [tilespmem:v35+s8+$0x0], $0xffff  }
.Ltmp0:
0x10f: {  	v39 =	vor.u32 v34, v36;
	v37 =	vor.u32 s16, v0;
	(pc) =	sbr.rel @p0 .LBB2_3-.Ltmp0, $3  }
0x110: {  	v35 =	vmulhi.u32 $0x51EB851F, v37;
	_ =	sdelay $0x1  }
0x111: {  	v35 =	vshrl.u32 v35, $0x6  }
0x112: {  	v36 =	vmov s16;
	v40 =	vmul.u32 $0xFFFFFF38, v35  }
0x113: {  	_ =	sdelay $0x2  }
0x114: {  	v41 =	vsub.s32 v2, v36  }
0x115: {  	[tilespmem:v39+s10+$0x0] =	vst.idx.msk $0xffff, v38;
	s14 =	sadd.s32 $0x10, s14;
	vm0 =	veq.s32 v36, v0;
	vm1 =	vne.s32 v40, v41  }
0x116: {  	v60 =	vld [tilespmem:s14+$0x0];
	vm0 =	vmand vm0, vm1  }
0x117: {  	v61 =	vsel vm0, $0xFFFFFFFF, v3  }
0x118: {  	v38 =	vadd.s32 v61, v35  }
0x119: {  	v62 =	vmul.u32 $0xFFFF38, v38;
	_ =	sdelay $0x1  }
0x11a: {  	v63 =	vshrl.u32 v38, $0x3;
	v35 =	vshll.u32 v60, $0x5;
	v43 =	vadd.s32 v37, v62  }
0x11b: {  	v44 =	vmul.u32 $0xC800, v63;
	v36 =	vshll.u32 v43, $0x8  }
0x11c: {  	v38 =	vshll.u32 v38, $0x7;
	v36 =	vand.u32 $0xFFFFFC00, v36  }
0x11d: {  	v45 =	vand.u32 $0x380, v38;
	v36 =	vadd.s32 v44, v36  }
0x11e: {  	v36 =	vor.u32 v45, v36  }
0x11f: {  	v46 =	vld.idx.msk [tilespmem:v35+s8+$0x0], $0xffff;
	v47 =	vor.u32 v1, v36  }
0x120: {  	v48 =	vor.u32 $0x1, v35;
	_ =	sdelay $0x3  }
0x121: {  	[tilespmem:v47+s10+$0x0] =	vst.idx.msk $0xffff, v46  }
0x122: {  	v49 =	vor.u32 v4, v36;
	v37 =	vld.idx.msk [tilespmem:v48+s8+$0x0], $0xffff  }
0x123: {  	v50 =	vor.u32 $0x2, v35;
	_ =	sdelay $0x3  }
0x124: {  	[tilespmem:v49+s10+$0x0] =	vst.idx.msk $0xffff, v37  }
0x125: {  	v51 =	vor.u32 v5, v36;
	v37 =	vld.idx.msk [tilespmem:v50+s8+$0x0], $0xffff  }
0x126: {  	v52 =	vor.u32 $0x3, v35;
	_ =	sdelay $0x3  }
0x127: {  	[tilespmem:v51+s10+$0x0] =	vst.idx.msk $0xffff, v37  }
0x128: {  	v53 =	vor.u32 v6, v36;
	v37 =	vld.idx.msk [tilespmem:v52+s8+$0x0], $0xffff  }
0x129: {  	v54 =	vor.u32 $0x4, v35;
	_ =	sdelay $0x3  }
0x12a: {  	[tilespmem:v53+s10+$0x0] =	vst.idx.msk $0xffff, v37  }
0x12b: {  	v55 =	vor.u32 v7, v36;
	v37 =	vld.idx.msk [tilespmem:v54+s8+$0x0], $0xffff  }
0x12c: {  	v56 =	vor.u32 $0x5, v35;
	_ =	sdelay $0x3  }
0x12d: {  	[tilespmem:v55+s10+$0x0] =	vst.idx.msk $0xffff, v37  }
0x12e: {  	v57 =	vor.u32 v8, v36;
	v37 =	vld.idx.msk [tilespmem:v56+s8+$0x0], $0xffff  }
0x12f: {  	v58 =	vor.u32 $0x6, v35;
	_ =	sdelay $0x3  }
0x130: {  	[tilespmem:v57+s10+$0x0] =	vst.idx.msk $0xffff, v37  }
0x131: {  	v59 =	vor.u32 v9, v36;
	v37 =	vld.idx.msk [tilespmem:v58+s8+$0x0], $0xffff  }
0x132: {  	v60 =	vor.u32 $0x7, v35;
	_ =	sdelay $0x3  }
0x133: {  	[tilespmem:v59+s10+$0x0] =	vst.idx.msk $0xffff, v37  }
0x134: {  	v61 =	vor.u32 v10, v36;
	v37 =	vld.idx.msk [tilespmem:v60+s8+$0x0], $0xffff  }
0x135: {  	v62 =	vor.u32 $0x8, v35;
	_ =	sdelay $0x3  }
0x136: {  	[tilespmem:v61+s10+$0x0] =	vst.idx.msk $0xffff, v37  }
0x137: {  	v63 =	vor.u32 v11, v36;
	v37 =	vld.idx.msk [tilespmem:v62+s8+$0x0], $0xffff  }
0x138: {  	v42 =	vor.u32 $0x9, v35;
	_ =	sdelay $0x3  }
0x139: {  	[tilespmem:v63+s10+$0x0] =	vst.idx.msk $0xffff, v37  }
0x13a: {  	v43 =	vor.u32 v12, v36;
	v37 =	vld.idx.msk [tilespmem:v42+s8+$0x0], $0xffff  }
0x13b: {  	v44 =	vor.u32 $0xA, v35;
	_ =	sdelay $0x3  }
0x13c: {  	[tilespmem:v43+s10+$0x0] =	vst.idx.msk $0xffff, v37  }
0x13d: {  	v45 =	vor.u32 v13, v36;
	v37 =	vld.idx.msk [tilespmem:v44+s8+$0x0], $0xffff  }
0x13e: {  	v46 =	vor.u32 $0xB, v35;
	_ =	sdelay $0x3  }
0x13f: {  	[tilespmem:v45+s10+$0x0] =	vst.idx.msk $0xffff, v37  }
0x140: {  	v47 =	vor.u32 v14, v36;
	v37 =	vld.idx.msk [tilespmem:v46+s8+$0x0], $0xffff  }
0x141: {  	v48 =	vor.u32 $0xC, v35;
	_ =	sdelay $0x3  }
0x142: {  	[tilespmem:v47+s10+$0x0] =	vst.idx.msk $0xffff, v37  }
0x143: {  	v49 =	vor.u32 v15, v36;
	v37 =	vld.idx.msk [tilespmem:v48+s8+$0x0], $0xffff  }
0x144: {  	v50 =	vor.u32 $0xD, v35;
	_ =	sdelay $0x3  }
0x145: {  	[tilespmem:v49+s10+$0x0] =	vst.idx.msk $0xffff, v37  }
0x146: {  	v51 =	vor.u32 v16, v36;
	v37 =	vld.idx.msk [tilespmem:v50+s8+$0x0], $0xffff  }
0x147: {  	v52 =	vor.u32 $0xE, v35;
	_ =	sdelay $0x3  }
0x148: {  	[tilespmem:v51+s10+$0x0] =	vst.idx.msk $0xffff, v37  }
0x149: {  	v53 =	vor.u32 v17, v36;
	v37 =	vld.idx.msk [tilespmem:v52+s8+$0x0], $0xffff  }
0x14a: {  	v54 =	vor.u32 $0xF, v35;
	_ =	sdelay $0x3  }
0x14b: {  	[tilespmem:v53+s10+$0x0] =	vst.idx.msk $0xffff, v37  }
0x14c: {  	v55 =	vor.u32 v18, v36;
	v37 =	vld.idx.msk [tilespmem:v54+s8+$0x0], $0xffff  }
0x14d: {  	v56 =	vor.u32 $0x10, v35;
	_ =	sdelay $0x3  }
0x14e: {  	[tilespmem:v55+s10+$0x0] =	vst.idx.msk $0xffff, v37  }
0x14f: {  	v57 =	vor.u32 v19, v36;
	v37 =	vld.idx.msk [tilespmem:v56+s8+$0x0], $0xffff  }
0x150: {  	v58 =	vor.u32 $0x11, v35;
	_ =	sdelay $0x3  }
0x151: {  	[tilespmem:v57+s10+$0x0] =	vst.idx.msk $0xffff, v37  }
0x152: {  	v59 =	vor.u32 v20, v36;
	v37 =	vld.idx.msk [tilespmem:v58+s8+$0x0], $0xffff  }
0x153: {  	v60 =	vor.u32 $0x12, v35;
	_ =	sdelay $0x3  }
0x154: {  	[tilespmem:v59+s10+$0x0] =	vst.idx.msk $0xffff, v37  }
0x155: {  	v61 =	vor.u32 v21, v36;
	v37 =	vld.idx.msk [tilespmem:v60+s8+$0x0], $0xffff  }
0x156: {  	v62 =	vor.u32 $0x13, v35;
	_ =	sdelay $0x3  }
0x157: {  	[tilespmem:v61+s10+$0x0] =	vst.idx.msk $0xffff, v37  }
0x158: {  	v63 =	vor.u32 v22, v36;
	v37 =	vld.idx.msk [tilespmem:v62+s8+$0x0], $0xffff  }
0x159: {  	v42 =	vor.u32 $0x14, v35;
	_ =	sdelay $0x3  }
0x15a: {  	[tilespmem:v63+s10+$0x0] =	vst.idx.msk $0xffff, v37  }
0x15b: {  	v43 =	vor.u32 v23, v36;
	v37 =	vld.idx.msk [tilespmem:v42+s8+$0x0], $0xffff  }
0x15c: {  	v44 =	vor.u32 $0x15, v35;
	_ =	sdelay $0x3  }
0x15d: {  	[tilespmem:v43+s10+$0x0] =	vst.idx.msk $0xffff, v37  }
0x15e: {  	v45 =	vor.u32 v24, v36;
	v37 =	vld.idx.msk [tilespmem:v44+s8+$0x0], $0xffff  }
0x15f: {  	v46 =	vor.u32 $0x16, v35;
	_ =	sdelay $0x3  }
0x160: {  	[tilespmem:v45+s10+$0x0] =	vst.idx.msk $0xffff, v37  }
0x161: {  	v47 =	vor.u32 v25, v36;
	v37 =	vld.idx.msk [tilespmem:v46+s8+$0x0], $0xffff  }
0x162: {  	v48 =	vor.u32 $0x17, v35;
	_ =	sdelay $0x3  }
0x163: {  	[tilespmem:v47+s10+$0x0] =	vst.idx.msk $0xffff, v37  }
0x164: {  	v49 =	vor.u32 v26, v36;
	v37 =	vld.idx.msk [tilespmem:v48+s8+$0x0], $0xffff  }
0x165: {  	v50 =	vor.u32 $0x18, v35;
	_ =	sdelay $0x3  }
0x166: {  	[tilespmem:v49+s10+$0x0] =	vst.idx.msk $0xffff, v37  }
0x167: {  	v51 =	vor.u32 v27, v36;
	v37 =	vld.idx.msk [tilespmem:v50+s8+$0x0], $0xffff  }
0x168: {  	v52 =	vor.u32 $0x19, v35;
	_ =	sdelay $0x3  }
0x169: {  	[tilespmem:v51+s10+$0x0] =	vst.idx.msk $0xffff, v37  }
0x16a: {  	v53 =	vor.u32 v28, v36;
	v37 =	vld.idx.msk [tilespmem:v52+s8+$0x0], $0xffff  }
0x16b: {  	v54 =	vor.u32 $0x1A, v35;
	_ =	sdelay $0x3  }
0x16c: {  	[tilespmem:v53+s10+$0x0] =	vst.idx.msk $0xffff, v37  }
0x16d: {  	v55 =	vor.u32 v29, v36;
	v37 =	vld.idx.msk [tilespmem:v54+s8+$0x0], $0xffff  }
0x16e: {  	v56 =	vor.u32 $0x1B, v35;
	_ =	sdelay $0x3  }
0x16f: {  	[tilespmem:v55+s10+$0x0] =	vst.idx.msk $0xffff, v37  }
0x170: {  	v57 =	vor.u32 v30, v36;
	v37 =	vld.idx.msk [tilespmem:v56+s8+$0x0], $0xffff  }
0x171: {  	v58 =	vor.u32 $0x1C, v35;
	_ =	sdelay $0x3  }
0x172: {  	[tilespmem:v57+s10+$0x0] =	vst.idx.msk $0xffff, v37  }
0x173: {  	v59 =	vor.u32 v31, v36;
	v37 =	vld.idx.msk [tilespmem:v58+s8+$0x0], $0xffff  }
0x174: {  	v60 =	vor.u32 $0x1D, v35;
	_ =	sdelay $0x3  }
0x175: {  	[tilespmem:v59+s10+$0x0] =	vst.idx.msk $0xffff, v37  }
0x176: {  	v61 =	vor.u32 v32, v36;
	v37 =	vld.idx.msk [tilespmem:v60+s8+$0x0], $0xffff  }
0x177: {  	v62 =	vor.u32 $0x1E, v35;
	_ =	sdelay $0x3  }
0x178: {  	[tilespmem:v61+s10+$0x0] =	vst.idx.msk $0xffff, v37  }
0x179: {  	v63 =	vor.u32 v33, v36;
	v37 =	vld.idx.msk [tilespmem:v62+s8+$0x0], $0xffff  }
0x17a: {  	v35 =	vor.u32 $0x1F, v35;
	_ =	sdelay $0x3  }
0x17b: {  	[tilespmem:v63+s10+$0x0] =	vst.idx.msk $0xffff, v37  }
0x17c: {  	v36 =	vor.u32 v34, v36;
	v35 =	vld.idx.msk [tilespmem:v35+s8+$0x0], $0xffff;
	_ =	sdelay $0x1  }
0x17d: {  	s13 =	sshrl.u32 s13, $0x3  }
0x17e: {  	s12 =	sadd.s32 $0x1, s12;
	s13 =	smul.u32 $0x1900, s13  }
0x17f: {  	p0 =	sne.s32 s12, $0x10  }
.Ltmp1:
0x180: {  	s13 =	sadd.s32 s5, s13;
	[tilespmem:v36+s10+$0x0] =	vst.idx.msk $0xffff, v35;
	(pc) =	sbr.rel @p0 .LBB2_2-.Ltmp1, $4  }
0x181: {  	[hbm4b:s13+s2] =	stream.linear.scatter [tilespmem:s10], [sflag:$0x1], $0xC800, $0x38;
	[tilespmem:$0x14B80] =	vst v63  }
0x182: {  	_ =	swait.ge [sflag:s9], $0xC800  }
0x183: {  	[sflag:s9] =	ssyncset.done $0x0  }
0x184: {  	[sflag:s9] =	ssyncadd.s32 $0xFFFF3800  }
0x185: {  	s11 =	sadd.s32 $0x1, s11  }
0x186: {  	p0 =	sne.s32 s11, s7  }
.Ltmp2:
0x187: {  	_ = 	snop;
	(pc) =	sbr.rel @p0 .LBB2_1-.Ltmp2, $1  }
0x188: {  	_ =	sdelay $0x3  }
0x189: {  	_ =	sfence.sel $0x180000  }
0x18a: {  	[bflag:$0x0] =	sbarrier.arrive $0xFFFF  }
0x18b: {  	p0 =	sne.s32 s4, $0x0;
	_ =	strace $0x90000047  }
0x18c: {  	s0 =	sadd.s32 @!p0 $0x100000, s0;
	[bflag:$0x2] =	sbarrier.arrive $0xFFFF  }
0x18d: {  	[sflag:s0] =	ssyncadd.tile.s32 @!p0 $0x1;
	_ =	shalt  }
.Lfunc_end2:
_tile_overlayer_lowered:
.L_overlay_start_2:
0x18e: {  	(tag) =	ssettag $0x2  }
0x18f: {  	s0 =	rddreg [dreg:$0x0];
	s2 =	stileid.u32  }
0x190: {  	s1 =	rddreg [dreg:$0x1];
	p0 =	sne.s32 s2, $0x0  }
0x191: {  	s3 =	rddreg [dreg:$0x2];
	[bflag:$0x3] =	sbarrier.arrive $0xFFFF;
	s2 =	simm.s32 @!p0 $0x1C01  }
0x192: {  	[timem:s3], [sflag:s2] =	dma.local @!p0 [hbm:s0], s1  }
0x193: {  	s0 =	simm.s32 @!p0 $0x1  }
0x194: {  	_ =	swait.ge @!p0 [sflag:s0], s1  }
0x195: {  	s1 =	ssub.s32 @!p0 $0x0, s1;
	[sflag:s0] =	ssyncset.done @!p0 $0x0  }
0x196: {  	[sflag:s0] =	ssyncadd.s32 @!p0 s1  }
0x197: {  	[bflag:$0x3] =	sbarrier.arrive $0xFFFF  }
0x198: {  	_ =	shalt  }

</sc_bundles>
